<compile_context>
chip_gen: v7x
topology: tpu7x:2x2x1
jax: 0.10.2.dev20260603
libtpu: 0.0.44.dev20260713+nightly
codegen_flags: <defaults>
</compile_context>

<pallas_src>
import functools

import jax
import jax.numpy as jnp
from jax import lax
from jax.experimental import pallas as pl
from jax.experimental.pallas import tpu as pltpu
from jax.experimental.pallas import tpu_sc as plsc

NC = 2
NS = 16
NW = NC * NS
CHUNK = 128
INNER = 2
NG = 1
M0 = 54
M1 = 26


def _matmul_body(f_ref, w_ref, o_ref):
    o_ref[0] = jnp.dot(f_ref[...], w_ref[0], preferred_element_type=jnp.float32)


def _sum_relu_body(*refs):
    o_ref = refs[-1]
    acc = refs[0][0]
    for r in refs[1:-1]:
        acc = acc + r[0]
    o_ref[...] = jnp.maximum(acc, 0.0)


@functools.partial(jax.jit, static_argnames=("npad", "c", "rpt"))
def _sc_gather_scatter(idx, tflat, zeros, *, npad, c, rpt):
    mesh = plsc.VectorSubcoreMesh(
        core_axis_name="c", subcore_axis_name="s", num_cores=NC, num_subcores=NS
    )

    def body(idx_hbm, tfeats_hbm, zeros_hbm, out_hbm,
             idx_v, rows_v, accum_sh, isem, gsem, ssem):
        cid = lax.axis_index("c")
        sid = lax.axis_index("s")
        wid = cid * NS + sid

        def outer_pair(t2, carry):
            for p in range(2):
                t = 2 * t2 + p
                nxt = pltpu.async_copy(idx_hbm.at[wid, t + 1],
                                       idx_v.at[1 - p], isem)
                gd = [
                    pltpu.async_copy(tfeats_hbm.at[idx_v.at[p, 0, b]],
                                     rows_v.at[b], gsem)
                    for b in range(INNER)
                ]
                sd = []
                for b in range(INNER):
                    gd[b].wait()
                    sd.append(pltpu.async_copy(rows_v.at[b],
                                               accum_sh.at[idx_v.at[p, 1, b]],
                                               ssem, add=True))
                for d in sd:
                    d.wait()
                nxt.wait()
            return carry

        pltpu.sync_copy(idx_hbm.at[wid, 0], idx_v.at[0])
        pltpu.sync_copy(zeros_hbm.at[pl.ds(sid * rpt, rpt)],
                        accum_sh.at[pl.ds(sid * rpt, rpt)])
        plsc.subcore_barrier()
        lax.fori_loop(0, lax.select(cid == 0, M0 // 2, M1 // 2),
                      outer_pair, 0)
        plsc.subcore_barrier()
        pltpu.sync_copy(accum_sh.at[pl.ds(sid * rpt, rpt)],
                        out_hbm.at[cid, pl.ds(sid * rpt, rpt)])

    return pl.kernel(
        body,
        out_type=jax.ShapeDtypeStruct((NC, npad, c), jnp.float32),
        mesh=mesh,
        scratch_types=[
            pltpu.VMEM((2, 2, INNER, CHUNK), jnp.int32),
            pltpu.VMEM((INNER, CHUNK, c), jnp.float32),
            pltpu.VMEM_SHARED((npad, c), jnp.float32),
            pltpu.SemaphoreType.DMA,
            pltpu.SemaphoreType.DMA,
            pltpu.SemaphoreType.DMA,
        ],
    )(idx, tflat, zeros)


def kernel(feats, in_map, out_map, W):
    n, c_in = feats.shape
    k, e = in_map.shape
    c_out = W.shape[-1]
    ksplit = [round(g * k / NG) for g in range(NG + 1)]

    in32 = in_map.astype(jnp.int32)
    out32 = out_map.astype(jnp.int32)
    feats_bf = feats.astype(jnp.bfloat16)
    w_bf = W.astype(jnp.bfloat16)

    blk = INNER * CHUNK
    ep0 = NS * M0 * blk
    ep1 = NS * M1 * blk
    ep = ep0 + ep1
    npad = ((n + NS + 127) // 128) * 128
    rpt = npad // NS
    zeros = jnp.zeros((npad, c_out), jnp.float32)
    bn = 2000

    def _pack(x):
        p0 = x[:ep0].reshape(NS, M0, 1, INNER, CHUNK)
        p1 = x[ep0:].reshape(NS, M1, 1, INNER, CHUNK)
        pad0 = jnp.zeros((NS, 1, 1, INNER, CHUNK), jnp.int32)
        pad1 = jnp.zeros((NS, M0 - M1 + 1, 1, INNER, CHUNK), jnp.int32)
        return jnp.concatenate(
            [jnp.concatenate([p0, pad0], axis=1),
             jnp.concatenate([p1, pad1], axis=1)], axis=0)

    partials = []
    for g in range(NG):
        k0, k1 = ksplit[g], ksplit[g + 1]
        kg = k1 - k0
        eg = kg * e
        assert ep >= eg
        tfeats = pl.pallas_call(
            _matmul_body,
            grid=(n // bn, kg),
            in_specs=[
                pl.BlockSpec((bn, c_in), lambda ni, ki: (ni, 0)),
                pl.BlockSpec((1, c_in, c_out), lambda ni, ki: (ki, 0, 0)),
            ],
            out_specs=pl.BlockSpec((1, bn, c_out), lambda ni, ki: (ki, ni, 0)),
            out_shape=jax.ShapeDtypeStruct((kg, n, c_out), jnp.float32),
        )(feats_bf, w_bf[k0:k1])
        tflat = tfeats.reshape(kg * n, c_out)

        offs = (jnp.arange(kg, dtype=jnp.int32) * n)[:, None]
        fi = (in32[k0:k1] + offs).reshape(-1)
        fo = out32[k0:k1].reshape(-1)
        fi = jnp.concatenate([fi, jnp.zeros((ep - eg,), jnp.int32)])
        fo = jnp.concatenate([fo, jnp.full((ep - eg,), n, jnp.int32)])
        idx = jnp.concatenate([_pack(fi), _pack(fo)], axis=2)

        partials.append(_sc_gather_scatter(
            idx, tflat, zeros, npad=npad, c=c_out, rpt=rpt))

    ins = []
    in_specs = []
    for p in partials:
        for cc in range(NC):
            ins.append(p)
            in_specs.append(
                pl.BlockSpec((1, n, c_out), lambda i, cc=cc: (cc, 0, 0)))
    out = pl.pallas_call(
        _sum_relu_body,
        grid=(1,),
        in_specs=in_specs,
        out_specs=pl.BlockSpec((n, c_out), lambda i: (0, 0)),
        out_shape=jax.ShapeDtypeStruct((n, c_out), jnp.float32),
    )(*ins)
    return out

# --- scband reference (transcript-rebuilt; emitter-appended) ---
"""Pipeline reference for scband-basic-convolution-block-4037269258942 (READ-ONLY COPY).

The authoritative reference and input builder live on the scoring server;
editing this copy changes nothing except your own understanding.
"""

import jax, jax.numpy as jnp
import numpy as np

N_NODES = 10000
K_OFFSETS = 27  # ks=3 -> 3^3 kernel offsets
E_PER_OFFSET = 12000
INC = 128
OUTC = 128


def setup_inputs(seed: int = 0) -> dict:
    key = jax.random.key(seed)
    k1, k2, k3, k4 = jax.random.split(key, 4)
    feats = jax.random.normal(k1, (N_NODES, INC), dtype=jnp.float32)
    in_map = jax.random.randint(k2, (K_OFFSETS, E_PER_OFFSET), 0, N_NODES, dtype=jnp.int64)
    out_map = jax.random.randint(k3, (K_OFFSETS, E_PER_OFFSET), 0, N_NODES, dtype=jnp.int64)
    # spnn.Conv3d weight: one [inc, outc] matrix per kernel offset (kaiming-ish init)
    W = jax.random.normal(k4, (K_OFFSETS, INC, OUTC), dtype=jnp.float32) * (2.0 / (INC * K_OFFSETS)) ** 0.5
    return {"feats": feats, "in_map": in_map, "out_map": out_map, "W": W}


def reference(feats, in_map, out_map, W):
    # Sparse 3D convolution via precomputed kernel maps (torchsparse semantics):
    # for each kernel offset k: gather input feats, multiply by W[k], scatter-add to outputs.
    gathered = jnp.take(feats, in_map, axis=0)            # [K, E, inc]
    msgs = jnp.einsum('kei,kio->keo', gathered, W)        # [K, E, outc]
    out = jnp.zeros((feats.shape[0], W.shape[-1]), dtype=feats.dtype)
    out = out.at[out_map.reshape(-1)].add(msgs.reshape(-1, W.shape[-1]))
    # spnn.ReLU(True)
    out = jnp.maximum(out, 0.0)
    return out

if __name__ == "__main__":
    import jax
    _d = setup_inputs()
    print(jax.jit(kernel)(*tuple(_d.values())))

</pallas_src>

<mosaic_0001>
#map = affine_map<(d0, d1) -> (0, 0, 0, 0, 0)>
#map1 = affine_map<(d0, d1) -> (0, 0)>
#map2 = affine_map<(d0, d1) -> (0, 0, 0)>
module attributes {stable_mosaic.version = 14 : i64} {
  func.func @body(%arg0: i32, %arg1: i32, %arg2: memref<32x55x2x2x128xi32, #tpu.memory_space<hbm>>, %arg3: memref<270000x128xf32, #tpu.memory_space<hbm>>, %arg4: memref<10112x128xf32, #tpu.memory_space<hbm>>, %arg5: memref<2x10112x128xf32, #tpu.memory_space<hbm>>, %arg6: memref<2x2x2x128xi32, #tpu.memory_space<vmem>>, %arg7: memref<2x128x128xf32, #tpu.memory_space<vmem>>, %arg8: memref<10112x128xf32, #tpu.memory_space<vmem_shared>>, %arg9: memref<!tpu.dma_semaphore, #tpu.memory_space<semaphore_mem>>, %arg10: memref<!tpu.dma_semaphore, #tpu.memory_space<semaphore_mem>>, %arg11: memref<!tpu.dma_semaphore, #tpu.memory_space<semaphore_mem>>) attributes {dimension_semantics = [#tpu.dimension_semantics<core_parallel>, #tpu.dimension_semantics<subcore_parallel>], iteration_bounds = array<i64: 2, 16>, scalar_prefetch = 0 : i64, scratch_operands = 6 : i64, tpu.core_type = #tpu.core_type<sc_vector_subcore>, window_params = [{transform_indices = #map}, {transform_indices = #map1}, {transform_indices = #map1}, {transform_indices = #map2}]} {
    %mul3A = arith.constant 16 : i32
    %mul3A_0 = arith.muli %arg0, %mul3A : i32
    %add3A = arith.addi %mul3A_0, %arg1 : i32
    %run_scoped3A = arith.constant 0 : i32
    %run_scoped3A_1 = arith.constant 0 : i32
    "tpu.region"() ({
      %run_scoped3A_23 = tpu.sem_alloc : memref<!tpu.dma_semaphore, #tpu.memory_space<semaphore_mem>>
      %dma_start3A = arith.constant 0 : i32
      %dma_start3A_24 = arith.constant 0 : i32
      %dma_start3A_25 = arith.constant 0 : i32
      %dma_start3A_26 = tpu.memref_slice %arg6[%run_scoped3A_1, %dma_start3A, %dma_start3A_24, %dma_start3A_25] : memref<2x2x2x128xi32, #tpu.memory_space<vmem>> -> memref<1x2x2x128xi32, #tpu.memory_space<vmem>>
      %dma_start3A_27 = tpu.memref_squeeze %dma_start3A_26 : memref<1x2x2x128xi32, #tpu.memory_space<vmem>> -> memref<2x2x128xi32, #tpu.memory_space<vmem>>
      %dma_start3A_28 = arith.constant 0 : i32
      %dma_start3A_29 = arith.constant 0 : i32
      %dma_start3A_30 = arith.constant 0 : i32
      %dma_start3A_31 = tpu.memref_slice %arg2[%add3A, %run_scoped3A, %dma_start3A_28, %dma_start3A_29, %dma_start3A_30] : memref<32x55x2x2x128xi32, #tpu.memory_space<hbm>> -> memref<1x1x2x2x128xi32, #tpu.memory_space<hbm>>
      %dma_start3A_32 = tpu.memref_squeeze %dma_start3A_31 : memref<1x1x2x2x128xi32, #tpu.memory_space<hbm>> -> memref<2x2x128xi32, #tpu.memory_space<hbm>>
      %dma_start3A_33 = arith.constant 0 : i32
      %dma_start3A_34 = arith.constant 0 : i32
      %dma_start3A_35 = arith.constant 0 : i32
      %dma_start3A_36 = tpu.memref_slice %arg6[%run_scoped3A_1, %dma_start3A_33, %dma_start3A_34, %dma_start3A_35] : memref<2x2x2x128xi32, #tpu.memory_space<vmem>> -> memref<1x2x2x128xi32, #tpu.memory_space<vmem>>
      %dma_start3A_37 = tpu.memref_squeeze %dma_start3A_36 : memref<1x2x2x128xi32, #tpu.memory_space<vmem>> -> memref<2x2x128xi32, #tpu.memory_space<vmem>>
      %dma_start3A_38 = arith.constant 0 : i32
      %dma_start3A_39 = arith.constant 0 : i32
      %dma_start3A_40 = arith.constant 0 : i32
      %dma_start3A_41 = tpu.memref_slice %arg2[%add3A, %run_scoped3A, %dma_start3A_38, %dma_start3A_39, %dma_start3A_40] : memref<32x55x2x2x128xi32, #tpu.memory_space<hbm>> -> memref<1x1x2x2x128xi32, #tpu.memory_space<hbm>>
      %dma_start3A_42 = tpu.memref_squeeze %dma_start3A_41 : memref<1x1x2x2x128xi32, #tpu.memory_space<hbm>> -> memref<2x2x128xi32, #tpu.memory_space<hbm>>
      tpu.enqueue_dma source(%dma_start3A_42 : memref<2x2x128xi32, #tpu.memory_space<hbm>>) target(%dma_start3A_37 : memref<2x2x128xi32, #tpu.memory_space<vmem>>) target_semaphore(%run_scoped3A_23 : memref<!tpu.dma_semaphore, #tpu.memory_space<semaphore_mem>>)
      %dma_wait3A = arith.constant 0 : i32
      %dma_wait3A_43 = arith.constant 0 : i32
      %dma_wait3A_44 = arith.constant 0 : i32
      %dma_wait3A_45 = tpu.memref_slice %arg6[%run_scoped3A_1, %dma_wait3A, %dma_wait3A_43, %dma_wait3A_44] : memref<2x2x2x128xi32, #tpu.memory_space<vmem>> -> memref<1x2x2x128xi32, #tpu.memory_space<vmem>>
      %dma_wait3A_46 = tpu.memref_squeeze %dma_wait3A_45 : memref<1x2x2x128xi32, #tpu.memory_space<vmem>> -> memref<2x2x128xi32, #tpu.memory_space<vmem>>
      %dma_wait3A_47 = arith.constant 0 : i32
      %dma_wait3A_48 = arith.constant 0 : i32
      %dma_wait3A_49 = arith.constant 0 : i32
      %dma_wait3A_50 = tpu.memref_slice %arg2[%add3A, %run_scoped3A, %dma_wait3A_47, %dma_wait3A_48, %dma_wait3A_49] : memref<32x55x2x2x128xi32, #tpu.memory_space<hbm>> -> memref<1x1x2x2x128xi32, #tpu.memory_space<hbm>>
      %dma_wait3A_51 = tpu.memref_squeeze %dma_wait3A_50 : memref<1x1x2x2x128xi32, #tpu.memory_space<hbm>> -> memref<2x2x128xi32, #tpu.memory_space<hbm>>
      %dma_wait3A_52 = arith.constant 0 : i32
      %dma_wait3A_53 = arith.constant 0 : i32
      %dma_wait3A_54 = arith.constant 0 : i32
      %dma_wait3A_55 = tpu.memref_slice %arg6[%run_scoped3A_1, %dma_wait3A_52, %dma_wait3A_53, %dma_wait3A_54] : memref<2x2x2x128xi32, #tpu.memory_space<vmem>> -> memref<1x2x2x128xi32, #tpu.memory_space<vmem>>
      %dma_wait3A_56 = tpu.memref_squeeze %dma_wait3A_55 : memref<1x2x2x128xi32, #tpu.memory_space<vmem>> -> memref<2x2x128xi32, #tpu.memory_space<vmem>>
      %dma_wait3A_57 = arith.constant 0 : i32
      %dma_wait3A_58 = arith.constant 0 : i32
      %dma_wait3A_59 = arith.constant 0 : i32
      %dma_wait3A_60 = tpu.memref_slice %arg2[%add3A, %run_scoped3A, %dma_wait3A_57, %dma_wait3A_58, %dma_wait3A_59] : memref<32x55x2x2x128xi32, #tpu.memory_space<hbm>> -> memref<1x1x2x2x128xi32, #tpu.memory_space<hbm>>
      %dma_wait3A_61 = tpu.memref_squeeze %dma_wait3A_60 : memref<1x1x2x2x128xi32, #tpu.memory_space<hbm>> -> memref<2x2x128xi32, #tpu.memory_space<hbm>>
      tpu.wait_dma2 semaphore(%run_scoped3A_23 : memref<!tpu.dma_semaphore, #tpu.memory_space<semaphore_mem>>) src(%dma_wait3A_61 : memref<2x2x128xi32, #tpu.memory_space<hbm>>) dst(%dma_wait3A_56 : memref<2x2x128xi32, #tpu.memory_space<vmem>>)
      tpu.yield
    }) : () -> ()
    %mul3A_2 = arith.constant 632 : i32
    %mul3A_3 = arith.muli %arg1, %mul3A_2 : i32
    %mul3A_4 = arith.constant 632 : i32
    %mul3A_5 = arith.muli %arg1, %mul3A_4 : i32
    "tpu.region"() ({
      %run_scoped3A_23 = tpu.sem_alloc : memref<!tpu.dma_semaphore, #tpu.memory_space<semaphore_mem>>
      %dma_start3A = arith.constant 0 : i32
      %dma_start3A_24 = tpu.memref_slice %arg8[%mul3A_5, %dma_start3A] : memref<10112x128xf32, #tpu.memory_space<vmem_shared>> -> memref<632x128xf32, #tpu.memory_space<vmem_shared>>
      %dma_start3A_25 = arith.constant 0 : i32
      %dma_start3A_26 = tpu.memref_slice %arg4[%mul3A_3, %dma_start3A_25] : memref<10112x128xf32, #tpu.memory_space<hbm>> -> memref<632x128xf32, #tpu.memory_space<hbm>>
      tpu.enqueue_dma source(%dma_start3A_26 : memref<632x128xf32, #tpu.memory_space<hbm>>) target(%dma_start3A_24 : memref<632x128xf32, #tpu.memory_space<vmem_shared>>) target_semaphore(%run_scoped3A_23 : memref<!tpu.dma_semaphore, #tpu.memory_space<semaphore_mem>>)
      %dma_wait3A = arith.constant 0 : i32
      %dma_wait3A_27 = tpu.memref_slice %arg8[%mul3A_5, %dma_wait3A] : memref<10112x128xf32, #tpu.memory_space<vmem_shared>> -> memref<632x128xf32, #tpu.memory_space<vmem_shared>>
      %dma_wait3A_28 = arith.constant 0 : i32
      %dma_wait3A_29 = tpu.memref_slice %arg4[%mul3A_3, %dma_wait3A_28] : memref<10112x128xf32, #tpu.memory_space<hbm>> -> memref<632x128xf32, #tpu.memory_space<hbm>>
      tpu.wait_dma2 semaphore(%run_scoped3A_23 : memref<!tpu.dma_semaphore, #tpu.memory_space<semaphore_mem>>) src(%dma_wait3A_29 : memref<632x128xf32, #tpu.memory_space<hbm>>) dst(%dma_wait3A_27 : memref<632x128xf32, #tpu.memory_space<vmem_shared>>)
      tpu.yield
    }) : () -> ()
    %barrier3A = arith.constant 0 : index
    tpu.barrier barrier_id(%barrier3A)
    %eq3A = arith.constant 0 : i32
    %eq3A_6 = arith.cmpi eq, %arg0, %eq3A : i32
    %select_n3A = arith.constant 13 : i32
    %select_n3A_7 = arith.constant 27 : i32
    %select_n3A_8 = arith.select %eq3A_6, %select_n3A_7, %select_n3A : i32
    %while3A = arith.constant 0 : i32
    %while3A_9 = arith.constant 0 : i32
    %while3A_10 = arith.subi %select_n3A_8, %while3A_9 : i32
    %while3A_11 = arith.addi %while3A_9, %while3A_10 : i32
    %while3A_12 = arith.constant 1 : i32
    %while3A_13 = arith.divsi %while3A_10, %while3A_12 : i32
    %while3A_14 = arith.muli %while3A_13, %while3A_12 : i32
    %while3A_15 = arith.addi %while3A_9, %while3A_14 : i32
    %while3A_16 = arith.constant 1 : i32
    scf.for %while3A_23 = %while3A_9 to %while3A_15 step %while3A_16  : i32 {
      %mul3A_24 = arith.constant 2 : i32
      %mul3A_25 = arith.muli %mul3A_24, %while3A_23 : i32
      %add3A_26 = arith.constant 0 : i32
      %add3A_27 = arith.addi %mul3A_25, %add3A_26 : i32
      %add3A_28 = arith.constant 1 : i32
      %add3A_29 = arith.addi %add3A_27, %add3A_28 : i32
      %dma_start3A = arith.constant 1 : i32
      %dma_start3A_30 = arith.constant 0 : i32
      %dma_start3A_31 = arith.constant 0 : i32
      %dma_start3A_32 = arith.constant 0 : i32
      %dma_start3A_33 = tpu.memref_slice %arg6[%dma_start3A, %dma_start3A_30, %dma_start3A_31, %dma_start3A_32] : memref<2x2x2x128xi32, #tpu.memory_space<vmem>> -> memref<1x2x2x128xi32, #tpu.memory_space<vmem>>
      %dma_start3A_34 = tpu.memref_squeeze %dma_start3A_33 : memref<1x2x2x128xi32, #tpu.memory_space<vmem>> -> memref<2x2x128xi32, #tpu.memory_space<vmem>>
      %dma_start3A_35 = arith.constant 0 : i32
      %dma_start3A_36 = arith.constant 0 : i32
      %dma_start3A_37 = arith.constant 0 : i32
      %dma_start3A_38 = tpu.memref_slice %arg2[%add3A, %add3A_29, %dma_start3A_35, %dma_start3A_36, %dma_start3A_37] : memref<32x55x2x2x128xi32, #tpu.memory_space<hbm>> -> memref<1x1x2x2x128xi32, #tpu.memory_space<hbm>>
      %dma_start3A_39 = tpu.memref_squeeze %dma_start3A_38 : memref<1x1x2x2x128xi32, #tpu.memory_space<hbm>> -> memref<2x2x128xi32, #tpu.memory_space<hbm>>
      %dma_start3A_40 = arith.constant 0 : i32
      %dma_start3A_41 = arith.constant 0 : i32
      %dma_start3A_42 = arith.constant 0 : i32
      %dma_start3A_43 = tpu.memref_slice %arg6[%dma_start3A, %dma_start3A_40, %dma_start3A_41, %dma_start3A_42] : memref<2x2x2x128xi32, #tpu.memory_space<vmem>> -> memref<1x2x2x128xi32, #tpu.memory_space<vmem>>
      %dma_start3A_44 = tpu.memref_squeeze %dma_start3A_43 : memref<1x2x2x128xi32, #tpu.memory_space<vmem>> -> memref<2x2x128xi32, #tpu.memory_space<vmem>>
      %dma_start3A_45 = arith.constant 0 : i32
      %dma_start3A_46 = arith.constant 0 : i32
      %dma_start3A_47 = arith.constant 0 : i32
      %dma_start3A_48 = tpu.memref_slice %arg2[%add3A, %add3A_29, %dma_start3A_45, %dma_start3A_46, %dma_start3A_47] : memref<32x55x2x2x128xi32, #tpu.memory_space<hbm>> -> memref<1x1x2x2x128xi32, #tpu.memory_space<hbm>>
      %dma_start3A_49 = tpu.memref_squeeze %dma_start3A_48 : memref<1x1x2x2x128xi32, #tpu.memory_space<hbm>> -> memref<2x2x128xi32, #tpu.memory_space<hbm>>
      tpu.enqueue_dma source(%dma_start3A_49 : memref<2x2x128xi32, #tpu.memory_space<hbm>>) target(%dma_start3A_44 : memref<2x2x128xi32, #tpu.memory_space<vmem>>) target_semaphore(%arg9 : memref<!tpu.dma_semaphore, #tpu.memory_space<semaphore_mem>>)
      %dma_start3A_50 = arith.constant 0 : i32
      %dma_start3A_51 = arith.constant 0 : i32
      %dma_start3A_52 = arith.constant 0 : i32
      %dma_start3A_53 = arith.constant 0 : i32
      %dma_start3A_54 = arith.constant 0 : i32
      %dma_start3A_55 = arith.constant 0 : i32
      %dma_start3A_56 = tpu.memref_slice %arg7[%dma_start3A_53, %dma_start3A_54, %dma_start3A_55] : memref<2x128x128xf32, #tpu.memory_space<vmem>> -> memref<1x128x128xf32, #tpu.memory_space<vmem>>
      %dma_start3A_57 = tpu.memref_squeeze %dma_start3A_56 : memref<1x128x128xf32, #tpu.memory_space<vmem>> -> memref<128x128xf32, #tpu.memory_space<vmem>>
      %dma_start3A_58 = arith.constant 0 : i32
      %dma_start3A_59 = tpu.memref_slice %arg6[%dma_start3A_50, %dma_start3A_51, %dma_start3A_52, %dma_start3A_58] : memref<2x2x2x128xi32, #tpu.memory_space<vmem>> -> memref<1x1x1x128xi32, #tpu.memory_space<vmem>>
      %dma_start3A_60 = tpu.memref_squeeze %dma_start3A_59 : memref<1x1x1x128xi32, #tpu.memory_space<vmem>> -> memref<128xi32, #tpu.memory_space<vmem>>
      %dma_start3A_61 = arith.constant 0 : i32
      %dma_start3A_62 = arith.constant 0 : i32
      %dma_start3A_63 = tpu.memref_slice %arg3[%dma_start3A_61, %dma_start3A_62] : memref<270000x128xf32, #tpu.memory_space<hbm>> -> memref<270000x128xf32, #tpu.memory_space<hbm>>
      tpu.enqueue_indirect_dma source(%dma_start3A_63 : memref<270000x128xf32, #tpu.memory_space<hbm>>) target(%dma_start3A_57 : memref<128x128xf32, #tpu.memory_space<vmem>>) offsets(%dma_start3A_60 : memref<128xi32, #tpu.memory_space<vmem>>) semaphore(%arg10 : memref<!tpu.dma_semaphore, #tpu.memory_space<semaphore_mem>>)
      %dma_start3A_64 = arith.constant 0 : i32
      %dma_start3A_65 = arith.constant 0 : i32
      %dma_start3A_66 = arith.constant 1 : i32
      %dma_start3A_67 = arith.constant 1 : i32
      %dma_start3A_68 = arith.constant 0 : i32
      %dma_start3A_69 = arith.constant 0 : i32
      %dma_start3A_70 = tpu.memref_slice %arg7[%dma_start3A_67, %dma_start3A_68, %dma_start3A_69] : memref<2x128x128xf32, #tpu.memory_space<vmem>> -> memref<1x128x128xf32, #tpu.memory_space<vmem>>
      %dma_start3A_71 = tpu.memref_squeeze %dma_start3A_70 : memref<1x128x128xf32, #tpu.memory_space<vmem>> -> memref<128x128xf32, #tpu.memory_space<vmem>>
      %dma_start3A_72 = arith.constant 0 : i32
      %dma_start3A_73 = tpu.memref_slice %arg6[%dma_start3A_64, %dma_start3A_65, %dma_start3A_66, %dma_start3A_72] : memref<2x2x2x128xi32, #tpu.memory_space<vmem>> -> memref<1x1x1x128xi32, #tpu.memory_space<vmem>>
      %dma_start3A_74 = tpu.memref_squeeze %dma_start3A_73 : memref<1x1x1x128xi32, #tpu.memory_space<vmem>> -> memref<128xi32, #tpu.memory_space<vmem>>
      %dma_start3A_75 = arith.constant 0 : i32
      %dma_start3A_76 = arith.constant 0 : i32
      %dma_start3A_77 = tpu.memref_slice %arg3[%dma_start3A_75, %dma_start3A_76] : memref<270000x128xf32, #tpu.memory_space<hbm>> -> memref<270000x128xf32, #tpu.memory_space<hbm>>
      tpu.enqueue_indirect_dma source(%dma_start3A_77 : memref<270000x128xf32, #tpu.memory_space<hbm>>) target(%dma_start3A_71 : memref<128x128xf32, #tpu.memory_space<vmem>>) offsets(%dma_start3A_74 : memref<128xi32, #tpu.memory_space<vmem>>) semaphore(%arg10 : memref<!tpu.dma_semaphore, #tpu.memory_space<semaphore_mem>>)
      %dma_wait3A = arith.constant 0 : i32
      %dma_wait3A_78 = arith.constant 0 : i32
      %dma_wait3A_79 = arith.constant 0 : i32
      %dma_wait3A_80 = arith.constant 0 : i32
      %dma_wait3A_81 = arith.constant 0 : i32
      %dma_wait3A_82 = arith.constant 0 : i32
      %dma_wait3A_83 = tpu.memref_slice %arg7[%dma_wait3A_80, %dma_wait3A_81, %dma_wait3A_82] : memref<2x128x128xf32, #tpu.memory_space<vmem>> -> memref<1x128x128xf32, #tpu.memory_space<vmem>>
      %dma_wait3A_84 = tpu.memref_squeeze %dma_wait3A_83 : memref<1x128x128xf32, #tpu.memory_space<vmem>> -> memref<128x128xf32, #tpu.memory_space<vmem>>
      %dma_wait3A_85 = arith.constant 0 : i32
      %dma_wait3A_86 = tpu.memref_slice %arg6[%dma_wait3A, %dma_wait3A_78, %dma_wait3A_79, %dma_wait3A_85] : memref<2x2x2x128xi32, #tpu.memory_space<vmem>> -> memref<1x1x1x128xi32, #tpu.memory_space<vmem>>
      %dma_wait3A_87 = tpu.memref_squeeze %dma_wait3A_86 : memref<1x1x1x128xi32, #tpu.memory_space<vmem>> -> memref<128xi32, #tpu.memory_space<vmem>>
      %dma_wait3A_88 = arith.constant 0 : i32
      %dma_wait3A_89 = arith.constant 0 : i32
      %dma_wait3A_90 = tpu.memref_slice %arg3[%dma_wait3A_88, %dma_wait3A_89] : memref<270000x128xf32, #tpu.memory_space<hbm>> -> memref<270000x128xf32, #tpu.memory_space<hbm>>
      tpu.wait_indirect_dma semaphore(%arg10 : memref<!tpu.dma_semaphore, #tpu.memory_space<semaphore_mem>>) src(%dma_wait3A_90 : memref<270000x128xf32, #tpu.memory_space<hbm>>) dst(%dma_wait3A_84 : memref<128x128xf32, #tpu.memory_space<vmem>>)
      %dma_start3A_91 = arith.constant 0 : i32
      %dma_start3A_92 = arith.constant 0 : i32
      %dma_start3A_93 = arith.constant 1 : i32
      %dma_start3A_94 = arith.constant 0 : i32
      %dma_start3A_95 = arith.constant 0 : i32
      %dma_start3A_96 = arith.constant 0 : i32
      %dma_start3A_97 = tpu.memref_slice %arg7[%dma_start3A_91, %dma_start3A_95, %dma_start3A_96] : memref<2x128x128xf32, #tpu.memory_space<vmem>> -> memref<1x128x128xf32, #tpu.memory_space<vmem>>
      %dma_start3A_98 = tpu.memref_squeeze %dma_start3A_97 : memref<1x128x128xf32, #tpu.memory_space<vmem>> -> memref<128x128xf32, #tpu.memory_space<vmem>>
      %dma_start3A_99 = arith.constant 0 : i32
      %dma_start3A_100 = tpu.memref_slice %arg6[%dma_start3A_92, %dma_start3A_93, %dma_start3A_94, %dma_start3A_99] : memref<2x2x2x128xi32, #tpu.memory_space<vmem>> -> memref<1x1x1x128xi32, #tpu.memory_space<vmem>>
      %dma_start3A_101 = tpu.memref_squeeze %dma_start3A_100 : memref<1x1x1x128xi32, #tpu.memory_space<vmem>> -> memref<128xi32, #tpu.memory_space<vmem>>
      %dma_start3A_102 = arith.constant 0 : i32
      %dma_start3A_103 = arith.constant 0 : i32
      %dma_start3A_104 = tpu.memref_slice %arg8[%dma_start3A_102, %dma_start3A_103] : memref<10112x128xf32, #tpu.memory_space<vmem_shared>> -> memref<10112x128xf32, #tpu.memory_space<vmem_shared>>
      tpu.enqueue_indirect_dma source(%dma_start3A_98 : memref<128x128xf32, #tpu.memory_space<vmem>>) target(%dma_start3A_104 : memref<10112x128xf32, #tpu.memory_space<vmem_shared>>) offsets(%dma_start3A_101 : memref<128xi32, #tpu.memory_space<vmem>>) semaphore(%arg11 : memref<!tpu.dma_semaphore, #tpu.memory_space<semaphore_mem>>) {add = true}
      %dma_wait3A_105 = arith.constant 0 : i32
      %dma_wait3A_106 = arith.constant 0 : i32
      %dma_wait3A_107 = arith.constant 1 : i32
      %dma_wait3A_108 = arith.constant 1 : i32
      %dma_wait3A_109 = arith.constant 0 : i32
      %dma_wait3A_110 = arith.constant 0 : i32
      %dma_wait3A_111 = tpu.memref_slice %arg7[%dma_wait3A_108, %dma_wait3A_109, %dma_wait3A_110] : memref<2x128x128xf32, #tpu.memory_space<vmem>> -> memref<1x128x128xf32, #tpu.memory_space<vmem>>
      %dma_wait3A_112 = tpu.memref_squeeze %dma_wait3A_111 : memref<1x128x128xf32, #tpu.memory_space<vmem>> -> memref<128x128xf32, #tpu.memory_space<vmem>>
      %dma_wait3A_113 = arith.constant 0 : i32
      %dma_wait3A_114 = tpu.memref_slice %arg6[%dma_wait3A_105, %dma_wait3A_106, %dma_wait3A_107, %dma_wait3A_113] : memref<2x2x2x128xi32, #tpu.memory_space<vmem>> -> memref<1x1x1x128xi32, #tpu.memory_space<vmem>>
      %dma_wait3A_115 = tpu.memref_squeeze %dma_wait3A_114 : memref<1x1x1x128xi32, #tpu.memory_space<vmem>> -> memref<128xi32, #tpu.memory_space<vmem>>
      %dma_wait3A_116 = arith.constant 0 : i32
      %dma_wait3A_117 = arith.constant 0 : i32
      %dma_wait3A_118 = tpu.memref_slice %arg3[%dma_wait3A_116, %dma_wait3A_117] : memref<270000x128xf32, #tpu.memory_space<hbm>> -> memref<270000x128xf32, #tpu.memory_space<hbm>>
      tpu.wait_indirect_dma semaphore(%arg10 : memref<!tpu.dma_semaphore, #tpu.memory_space<semaphore_mem>>) src(%dma_wait3A_118 : memref<270000x128xf32, #tpu.memory_space<hbm>>) dst(%dma_wait3A_112 : memref<128x128xf32, #tpu.memory_space<vmem>>)
      %dma_start3A_119 = arith.constant 1 : i32
      %dma_start3A_120 = arith.constant 0 : i32
      %dma_start3A_121 = arith.constant 1 : i32
      %dma_start3A_122 = arith.constant 1 : i32
      %dma_start3A_123 = arith.constant 0 : i32
      %dma_start3A_124 = arith.constant 0 : i32
      %dma_start3A_125 = tpu.memref_slice %arg7[%dma_start3A_119, %dma_start3A_123, %dma_start3A_124] : memref<2x128x128xf32, #tpu.memory_space<vmem>> -> memref<1x128x128xf32, #tpu.memory_space<vmem>>
      %dma_start3A_126 = tpu.memref_squeeze %dma_start3A_125 : memref<1x128x128xf32, #tpu.memory_space<vmem>> -> memref<128x128xf32, #tpu.memory_space<vmem>>
      %dma_start3A_127 = arith.constant 0 : i32
      %dma_start3A_128 = tpu.memref_slice %arg6[%dma_start3A_120, %dma_start3A_121, %dma_start3A_122, %dma_start3A_127] : memref<2x2x2x128xi32, #tpu.memory_space<vmem>> -> memref<1x1x1x128xi32, #tpu.memory_space<vmem>>
      %dma_start3A_129 = tpu.memref_squeeze %dma_start3A_128 : memref<1x1x1x128xi32, #tpu.memory_space<vmem>> -> memref<128xi32, #tpu.memory_space<vmem>>
      %dma_start3A_130 = arith.constant 0 : i32
      %dma_start3A_131 = arith.constant 0 : i32
      %dma_start3A_132 = tpu.memref_slice %arg8[%dma_start3A_130, %dma_start3A_131] : memref<10112x128xf32, #tpu.memory_space<vmem_shared>> -> memref<10112x128xf32, #tpu.memory_space<vmem_shared>>
      tpu.enqueue_indirect_dma source(%dma_start3A_126 : memref<128x128xf32, #tpu.memory_space<vmem>>) target(%dma_start3A_132 : memref<10112x128xf32, #tpu.memory_space<vmem_shared>>) offsets(%dma_start3A_129 : memref<128xi32, #tpu.memory_space<vmem>>) semaphore(%arg11 : memref<!tpu.dma_semaphore, #tpu.memory_space<semaphore_mem>>) {add = true}
      %dma_wait3A_133 = arith.constant 0 : i32
      %dma_wait3A_134 = arith.constant 0 : i32
      %dma_wait3A_135 = arith.constant 1 : i32
      %dma_wait3A_136 = arith.constant 0 : i32
      %dma_wait3A_137 = arith.constant 0 : i32
      %dma_wait3A_138 = arith.constant 0 : i32
      %dma_wait3A_139 = tpu.memref_slice %arg7[%dma_wait3A_133, %dma_wait3A_137, %dma_wait3A_138] : memref<2x128x128xf32, #tpu.memory_space<vmem>> -> memref<1x128x128xf32, #tpu.memory_space<vmem>>
      %dma_wait3A_140 = tpu.memref_squeeze %dma_wait3A_139 : memref<1x128x128xf32, #tpu.memory_space<vmem>> -> memref<128x128xf32, #tpu.memory_space<vmem>>
      %dma_wait3A_141 = arith.constant 0 : i32
      %dma_wait3A_142 = tpu.memref_slice %arg6[%dma_wait3A_134, %dma_wait3A_135, %dma_wait3A_136, %dma_wait3A_141] : memref<2x2x2x128xi32, #tpu.memory_space<vmem>> -> memref<1x1x1x128xi32, #tpu.memory_space<vmem>>
      %dma_wait3A_143 = tpu.memref_squeeze %dma_wait3A_142 : memref<1x1x1x128xi32, #tpu.memory_space<vmem>> -> memref<128xi32, #tpu.memory_space<vmem>>
      %dma_wait3A_144 = arith.constant 0 : i32
      %dma_wait3A_145 = arith.constant 0 : i32
      %dma_wait3A_146 = tpu.memref_slice %arg8[%dma_wait3A_144, %dma_wait3A_145] : memref<10112x128xf32, #tpu.memory_space<vmem_shared>> -> memref<10112x128xf32, #tpu.memory_space<vmem_shared>>
      tpu.wait_indirect_dma semaphore(%arg11 : memref<!tpu.dma_semaphore, #tpu.memory_space<semaphore_mem>>) src(%dma_wait3A_140 : memref<128x128xf32, #tpu.memory_space<vmem>>) dst(%dma_wait3A_146 : memref<10112x128xf32, #tpu.memory_space<vmem_shared>>)
      %dma_wait3A_147 = arith.constant 1 : i32
      %dma_wait3A_148 = arith.constant 0 : i32
      %dma_wait3A_149 = arith.constant 1 : i32
      %dma_wait3A_150 = arith.constant 1 : i32
      %dma_wait3A_151 = arith.constant 0 : i32
      %dma_wait3A_152 = arith.constant 0 : i32
      %dma_wait3A_153 = tpu.memref_slice %arg7[%dma_wait3A_147, %dma_wait3A_151, %dma_wait3A_152] : memref<2x128x128xf32, #tpu.memory_space<vmem>> -> memref<1x128x128xf32, #tpu.memory_space<vmem>>
      %dma_wait3A_154 = tpu.memref_squeeze %dma_wait3A_153 : memref<1x128x128xf32, #tpu.memory_space<vmem>> -> memref<128x128xf32, #tpu.memory_space<vmem>>
      %dma_wait3A_155 = arith.constant 0 : i32
      %dma_wait3A_156 = tpu.memref_slice %arg6[%dma_wait3A_148, %dma_wait3A_149, %dma_wait3A_150, %dma_wait3A_155] : memref<2x2x2x128xi32, #tpu.memory_space<vmem>> -> memref<1x1x1x128xi32, #tpu.memory_space<vmem>>
      %dma_wait3A_157 = tpu.memref_squeeze %dma_wait3A_156 : memref<1x1x1x128xi32, #tpu.memory_space<vmem>> -> memref<128xi32, #tpu.memory_space<vmem>>
      %dma_wait3A_158 = arith.constant 0 : i32
      %dma_wait3A_159 = arith.constant 0 : i32
      %dma_wait3A_160 = tpu.memref_slice %arg8[%dma_wait3A_158, %dma_wait3A_159] : memref<10112x128xf32, #tpu.memory_space<vmem_shared>> -> memref<10112x128xf32, #tpu.memory_space<vmem_shared>>
      tpu.wait_indirect_dma semaphore(%arg11 : memref<!tpu.dma_semaphore, #tpu.memory_space<semaphore_mem>>) src(%dma_wait3A_154 : memref<128x128xf32, #tpu.memory_space<vmem>>) dst(%dma_wait3A_160 : memref<10112x128xf32, #tpu.memory_space<vmem_shared>>)
      %dma_wait3A_161 = arith.constant 1 : i32
      %dma_wait3A_162 = arith.constant 0 : i32
      %dma_wait3A_163 = arith.constant 0 : i32
      %dma_wait3A_164 = arith.constant 0 : i32
      %dma_wait3A_165 = tpu.memref_slice %arg6[%dma_wait3A_161, %dma_wait3A_162, %dma_wait3A_163, %dma_wait3A_164] : memref<2x2x2x128xi32, #tpu.memory_space<vmem>> -> memref<1x2x2x128xi32, #tpu.memory_space<vmem>>
      %dma_wait3A_166 = tpu.memref_squeeze %dma_wait3A_165 : memref<1x2x2x128xi32, #tpu.memory_space<vmem>> -> memref<2x2x128xi32, #tpu.memory_space<vmem>>
      %dma_wait3A_167 = arith.constant 0 : i32
      %dma_wait3A_168 = arith.constant 0 : i32
      %dma_wait3A_169 = arith.constant 0 : i32
      %dma_wait3A_170 = tpu.memref_slice %arg2[%add3A, %add3A_29, %dma_wait3A_167, %dma_wait3A_168, %dma_wait3A_169] : memref<32x55x2x2x128xi32, #tpu.memory_space<hbm>> -> memref<1x1x2x2x128xi32, #tpu.memory_space<hbm>>
      %dma_wait3A_171 = tpu.memref_squeeze %dma_wait3A_170 : memref<1x1x2x2x128xi32, #tpu.memory_space<hbm>> -> memref<2x2x128xi32, #tpu.memory_space<hbm>>
      %dma_wait3A_172 = arith.constant 0 : i32
      %dma_wait3A_173 = arith.constant 0 : i32
      %dma_wait3A_174 = arith.constant 0 : i32
      %dma_wait3A_175 = tpu.memref_slice %arg6[%dma_wait3A_161, %dma_wait3A_172, %dma_wait3A_173, %dma_wait3A_174] : memref<2x2x2x128xi32, #tpu.memory_space<vmem>> -> memref<1x2x2x128xi32, #tpu.memory_space<vmem>>
      %dma_wait3A_176 = tpu.memref_squeeze %dma_wait3A_175 : memref<1x2x2x128xi32, #tpu.memory_space<vmem>> -> memref<2x2x128xi32, #tpu.memory_space<vmem>>
      %dma_wait3A_177 = arith.constant 0 : i32
      %dma_wait3A_178 = arith.constant 0 : i32
      %dma_wait3A_179 = arith.constant 0 : i32
      %dma_wait3A_180 = tpu.memref_slice %arg2[%add3A, %add3A_29, %dma_wait3A_177, %dma_wait3A_178, %dma_wait3A_179] : memref<32x55x2x2x128xi32, #tpu.memory_space<hbm>> -> memref<1x1x2x2x128xi32, #tpu.memory_space<hbm>>
      %dma_wait3A_181 = tpu.memref_squeeze %dma_wait3A_180 : memref<1x1x2x2x128xi32, #tpu.memory_space<hbm>> -> memref<2x2x128xi32, #tpu.memory_space<hbm>>
      tpu.wait_dma2 semaphore(%arg9 : memref<!tpu.dma_semaphore, #tpu.memory_space<semaphore_mem>>) src(%dma_wait3A_181 : memref<2x2x128xi32, #tpu.memory_space<hbm>>) dst(%dma_wait3A_176 : memref<2x2x128xi32, #tpu.memory_space<vmem>>)
      %mul3A_182 = arith.constant 2 : i32
      %mul3A_183 = arith.muli %mul3A_182, %while3A_23 : i32
      %add3A_184 = arith.constant 1 : i32
      %add3A_185 = arith.addi %mul3A_183, %add3A_184 : i32
      %add3A_186 = arith.constant 1 : i32
      %add3A_187 = arith.addi %add3A_185, %add3A_186 : i32
      %dma_start3A_188 = arith.constant 0 : i32
      %dma_start3A_189 = arith.constant 0 : i32
      %dma_start3A_190 = arith.constant 0 : i32
      %dma_start3A_191 = arith.constant 0 : i32
      %dma_start3A_192 = tpu.memref_slice %arg6[%dma_start3A_188, %dma_start3A_189, %dma_start3A_190, %dma_start3A_191] : memref<2x2x2x128xi32, #tpu.memory_space<vmem>> -> memref<1x2x2x128xi32, #tpu.memory_space<vmem>>
      %dma_start3A_193 = tpu.memref_squeeze %dma_start3A_192 : memref<1x2x2x128xi32, #tpu.memory_space<vmem>> -> memref<2x2x128xi32, #tpu.memory_space<vmem>>
      %dma_start3A_194 = arith.constant 0 : i32
      %dma_start3A_195 = arith.constant 0 : i32
      %dma_start3A_196 = arith.constant 0 : i32
      %dma_start3A_197 = tpu.memref_slice %arg2[%add3A, %add3A_187, %dma_start3A_194, %dma_start3A_195, %dma_start3A_196] : memref<32x55x2x2x128xi32, #tpu.memory_space<hbm>> -> memref<1x1x2x2x128xi32, #tpu.memory_space<hbm>>
      %dma_start3A_198 = tpu.memref_squeeze %dma_start3A_197 : memref<1x1x2x2x128xi32, #tpu.memory_space<hbm>> -> memref<2x2x128xi32, #tpu.memory_space<hbm>>
      %dma_start3A_199 = arith.constant 0 : i32
      %dma_start3A_200 = arith.constant 0 : i32
      %dma_start3A_201 = arith.constant 0 : i32
      %dma_start3A_202 = tpu.memref_slice %arg6[%dma_start3A_188, %dma_start3A_199, %dma_start3A_200, %dma_start3A_201] : memref<2x2x2x128xi32, #tpu.memory_space<vmem>> -> memref<1x2x2x128xi32, #tpu.memory_space<vmem>>
      %dma_start3A_203 = tpu.memref_squeeze %dma_start3A_202 : memref<1x2x2x128xi32, #tpu.memory_space<vmem>> -> memref<2x2x128xi32, #tpu.memory_space<vmem>>
      %dma_start3A_204 = arith.constant 0 : i32
      %dma_start3A_205 = arith.constant 0 : i32
      %dma_start3A_206 = arith.constant 0 : i32
      %dma_start3A_207 = tpu.memref_slice %arg2[%add3A, %add3A_187, %dma_start3A_204, %dma_start3A_205, %dma_start3A_206] : memref<32x55x2x2x128xi32, #tpu.memory_space<hbm>> -> memref<1x1x2x2x128xi32, #tpu.memory_space<hbm>>
      %dma_start3A_208 = tpu.memref_squeeze %dma_start3A_207 : memref<1x1x2x2x128xi32, #tpu.memory_space<hbm>> -> memref<2x2x128xi32, #tpu.memory_space<hbm>>
      tpu.enqueue_dma source(%dma_start3A_208 : memref<2x2x128xi32, #tpu.memory_space<hbm>>) target(%dma_start3A_203 : memref<2x2x128xi32, #tpu.memory_space<vmem>>) target_semaphore(%arg9 : memref<!tpu.dma_semaphore, #tpu.memory_space<semaphore_mem>>)
      %dma_start3A_209 = arith.constant 1 : i32
      %dma_start3A_210 = arith.constant 0 : i32
      %dma_start3A_211 = arith.constant 0 : i32
      %dma_start3A_212 = arith.constant 0 : i32
      %dma_start3A_213 = arith.constant 0 : i32
      %dma_start3A_214 = arith.constant 0 : i32
      %dma_start3A_215 = tpu.memref_slice %arg7[%dma_start3A_212, %dma_start3A_213, %dma_start3A_214] : memref<2x128x128xf32, #tpu.memory_space<vmem>> -> memref<1x128x128xf32, #tpu.memory_space<vmem>>
      %dma_start3A_216 = tpu.memref_squeeze %dma_start3A_215 : memref<1x128x128xf32, #tpu.memory_space<vmem>> -> memref<128x128xf32, #tpu.memory_space<vmem>>
      %dma_start3A_217 = arith.constant 0 : i32
      %dma_start3A_218 = tpu.memref_slice %arg6[%dma_start3A_209, %dma_start3A_210, %dma_start3A_211, %dma_start3A_217] : memref<2x2x2x128xi32, #tpu.memory_space<vmem>> -> memref<1x1x1x128xi32, #tpu.memory_space<vmem>>
      %dma_start3A_219 = tpu.memref_squeeze %dma_start3A_218 : memref<1x1x1x128xi32, #tpu.memory_space<vmem>> -> memref<128xi32, #tpu.memory_space<vmem>>
      %dma_start3A_220 = arith.constant 0 : i32
      %dma_start3A_221 = arith.constant 0 : i32
      %dma_start3A_222 = tpu.memref_slice %arg3[%dma_start3A_220, %dma_start3A_221] : memref<270000x128xf32, #tpu.memory_space<hbm>> -> memref<270000x128xf32, #tpu.memory_space<hbm>>
      tpu.enqueue_indirect_dma source(%dma_start3A_222 : memref<270000x128xf32, #tpu.memory_space<hbm>>) target(%dma_start3A_216 : memref<128x128xf32, #tpu.memory_space<vmem>>) offsets(%dma_start3A_219 : memref<128xi32, #tpu.memory_space<vmem>>) semaphore(%arg10 : memref<!tpu.dma_semaphore, #tpu.memory_space<semaphore_mem>>)
      %dma_start3A_223 = arith.constant 1 : i32
      %dma_start3A_224 = arith.constant 0 : i32
      %dma_start3A_225 = arith.constant 1 : i32
      %dma_start3A_226 = arith.constant 1 : i32
      %dma_start3A_227 = arith.constant 0 : i32
      %dma_start3A_228 = arith.constant 0 : i32
      %dma_start3A_229 = tpu.memref_slice %arg7[%dma_start3A_226, %dma_start3A_227, %dma_start3A_228] : memref<2x128x128xf32, #tpu.memory_space<vmem>> -> memref<1x128x128xf32, #tpu.memory_space<vmem>>
      %dma_start3A_230 = tpu.memref_squeeze %dma_start3A_229 : memref<1x128x128xf32, #tpu.memory_space<vmem>> -> memref<128x128xf32, #tpu.memory_space<vmem>>
      %dma_start3A_231 = arith.constant 0 : i32
      %dma_start3A_232 = tpu.memref_slice %arg6[%dma_start3A_223, %dma_start3A_224, %dma_start3A_225, %dma_start3A_231] : memref<2x2x2x128xi32, #tpu.memory_space<vmem>> -> memref<1x1x1x128xi32, #tpu.memory_space<vmem>>
      %dma_start3A_233 = tpu.memref_squeeze %dma_start3A_232 : memref<1x1x1x128xi32, #tpu.memory_space<vmem>> -> memref<128xi32, #tpu.memory_space<vmem>>
      %dma_start3A_234 = arith.constant 0 : i32
      %dma_start3A_235 = arith.constant 0 : i32
      %dma_start3A_236 = tpu.memref_slice %arg3[%dma_start3A_234, %dma_start3A_235] : memref<270000x128xf32, #tpu.memory_space<hbm>> -> memref<270000x128xf32, #tpu.memory_space<hbm>>
      tpu.enqueue_indirect_dma source(%dma_start3A_236 : memref<270000x128xf32, #tpu.memory_space<hbm>>) target(%dma_start3A_230 : memref<128x128xf32, #tpu.memory_space<vmem>>) offsets(%dma_start3A_233 : memref<128xi32, #tpu.memory_space<vmem>>) semaphore(%arg10 : memref<!tpu.dma_semaphore, #tpu.memory_space<semaphore_mem>>)
      %dma_wait3A_237 = arith.constant 1 : i32
      %dma_wait3A_238 = arith.constant 0 : i32
      %dma_wait3A_239 = arith.constant 0 : i32
      %dma_wait3A_240 = arith.constant 0 : i32
      %dma_wait3A_241 = arith.constant 0 : i32
      %dma_wait3A_242 = arith.constant 0 : i32
      %dma_wait3A_243 = tpu.memref_slice %arg7[%dma_wait3A_240, %dma_wait3A_241, %dma_wait3A_242] : memref<2x128x128xf32, #tpu.memory_space<vmem>> -> memref<1x128x128xf32, #tpu.memory_space<vmem>>
      %dma_wait3A_244 = tpu.memref_squeeze %dma_wait3A_243 : memref<1x128x128xf32, #tpu.memory_space<vmem>> -> memref<128x128xf32, #tpu.memory_space<vmem>>
      %dma_wait3A_245 = arith.constant 0 : i32
      %dma_wait3A_246 = tpu.memref_slice %arg6[%dma_wait3A_237, %dma_wait3A_238, %dma_wait3A_239, %dma_wait3A_245] : memref<2x2x2x128xi32, #tpu.memory_space<vmem>> -> memref<1x1x1x128xi32, #tpu.memory_space<vmem>>
      %dma_wait3A_247 = tpu.memref_squeeze %dma_wait3A_246 : memref<1x1x1x128xi32, #tpu.memory_space<vmem>> -> memref<128xi32, #tpu.memory_space<vmem>>
      %dma_wait3A_248 = arith.constant 0 : i32
      %dma_wait3A_249 = arith.constant 0 : i32
      %dma_wait3A_250 = tpu.memref_slice %arg3[%dma_wait3A_248, %dma_wait3A_249] : memref<270000x128xf32, #tpu.memory_space<hbm>> -> memref<270000x128xf32, #tpu.memory_space<hbm>>
      tpu.wait_indirect_dma semaphore(%arg10 : memref<!tpu.dma_semaphore, #tpu.memory_space<semaphore_mem>>) src(%dma_wait3A_250 : memref<270000x128xf32, #tpu.memory_space<hbm>>) dst(%dma_wait3A_244 : memref<128x128xf32, #tpu.memory_space<vmem>>)
      %dma_start3A_251 = arith.constant 0 : i32
      %dma_start3A_252 = arith.constant 1 : i32
      %dma_start3A_253 = arith.constant 1 : i32
      %dma_start3A_254 = arith.constant 0 : i32
      %dma_start3A_255 = arith.constant 0 : i32
      %dma_start3A_256 = arith.constant 0 : i32
      %dma_start3A_257 = tpu.memref_slice %arg7[%dma_start3A_251, %dma_start3A_255, %dma_start3A_256] : memref<2x128x128xf32, #tpu.memory_space<vmem>> -> memref<1x128x128xf32, #tpu.memory_space<vmem>>
      %dma_start3A_258 = tpu.memref_squeeze %dma_start3A_257 : memref<1x128x128xf32, #tpu.memory_space<vmem>> -> memref<128x128xf32, #tpu.memory_space<vmem>>
      %dma_start3A_259 = arith.constant 0 : i32
      %dma_start3A_260 = tpu.memref_slice %arg6[%dma_start3A_252, %dma_start3A_253, %dma_start3A_254, %dma_start3A_259] : memref<2x2x2x128xi32, #tpu.memory_space<vmem>> -> memref<1x1x1x128xi32, #tpu.memory_space<vmem>>
      %dma_start3A_261 = tpu.memref_squeeze %dma_start3A_260 : memref<1x1x1x128xi32, #tpu.memory_space<vmem>> -> memref<128xi32, #tpu.memory_space<vmem>>
      %dma_start3A_262 = arith.constant 0 : i32
      %dma_start3A_263 = arith.constant 0 : i32
      %dma_start3A_264 = tpu.memref_slice %arg8[%dma_start3A_262, %dma_start3A_263] : memref<10112x128xf32, #tpu.memory_space<vmem_shared>> -> memref<10112x128xf32, #tpu.memory_space<vmem_shared>>
      tpu.enqueue_indirect_dma source(%dma_start3A_258 : memref<128x128xf32, #tpu.memory_space<vmem>>) target(%dma_start3A_264 : memref<10112x128xf32, #tpu.memory_space<vmem_shared>>) offsets(%dma_start3A_261 : memref<128xi32, #tpu.memory_space<vmem>>) semaphore(%arg11 : memref<!tpu.dma_semaphore, #tpu.memory_space<semaphore_mem>>) {add = true}
      %dma_wait3A_265 = arith.constant 1 : i32
      %dma_wait3A_266 = arith.constant 0 : i32
      %dma_wait3A_267 = arith.constant 1 : i32
      %dma_wait3A_268 = arith.constant 1 : i32
      %dma_wait3A_269 = arith.constant 0 : i32
      %dma_wait3A_270 = arith.constant 0 : i32
      %dma_wait3A_271 = tpu.memref_slice %arg7[%dma_wait3A_268, %dma_wait3A_269, %dma_wait3A_270] : memref<2x128x128xf32, #tpu.memory_space<vmem>> -> memref<1x128x128xf32, #tpu.memory_space<vmem>>
      %dma_wait3A_272 = tpu.memref_squeeze %dma_wait3A_271 : memref<1x128x128xf32, #tpu.memory_space<vmem>> -> memref<128x128xf32, #tpu.memory_space<vmem>>
      %dma_wait3A_273 = arith.constant 0 : i32
      %dma_wait3A_274 = tpu.memref_slice %arg6[%dma_wait3A_265, %dma_wait3A_266, %dma_wait3A_267, %dma_wait3A_273] : memref<2x2x2x128xi32, #tpu.memory_space<vmem>> -> memref<1x1x1x128xi32, #tpu.memory_space<vmem>>
      %dma_wait3A_275 = tpu.memref_squeeze %dma_wait3A_274 : memref<1x1x1x128xi32, #tpu.memory_space<vmem>> -> memref<128xi32, #tpu.memory_space<vmem>>
      %dma_wait3A_276 = arith.constant 0 : i32
      %dma_wait3A_277 = arith.constant 0 : i32
      %dma_wait3A_278 = tpu.memref_slice %arg3[%dma_wait3A_276, %dma_wait3A_277] : memref<270000x128xf32, #tpu.memory_space<hbm>> -> memref<270000x128xf32, #tpu.memory_space<hbm>>
      tpu.wait_indirect_dma semaphore(%arg10 : memref<!tpu.dma_semaphore, #tpu.memory_space<semaphore_mem>>) src(%dma_wait3A_278 : memref<270000x128xf32, #tpu.memory_space<hbm>>) dst(%dma_wait3A_272 : memref<128x128xf32, #tpu.memory_space<vmem>>)
      %dma_start3A_279 = arith.constant 1 : i32
      %dma_start3A_280 = arith.constant 1 : i32
      %dma_start3A_281 = arith.constant 1 : i32
      %dma_start3A_282 = arith.constant 1 : i32
      %dma_start3A_283 = arith.constant 0 : i32
      %dma_start3A_284 = arith.constant 0 : i32
      %dma_start3A_285 = tpu.memref_slice %arg7[%dma_start3A_279, %dma_start3A_283, %dma_start3A_284] : memref<2x128x128xf32, #tpu.memory_space<vmem>> -> memref<1x128x128xf32, #tpu.memory_space<vmem>>
      %dma_start3A_286 = tpu.memref_squeeze %dma_start3A_285 : memref<1x128x128xf32, #tpu.memory_space<vmem>> -> memref<128x128xf32, #tpu.memory_space<vmem>>
      %dma_start3A_287 = arith.constant 0 : i32
      %dma_start3A_288 = tpu.memref_slice %arg6[%dma_start3A_280, %dma_start3A_281, %dma_start3A_282, %dma_start3A_287] : memref<2x2x2x128xi32, #tpu.memory_space<vmem>> -> memref<1x1x1x128xi32, #tpu.memory_space<vmem>>
      %dma_start3A_289 = tpu.memref_squeeze %dma_start3A_288 : memref<1x1x1x128xi32, #tpu.memory_space<vmem>> -> memref<128xi32, #tpu.memory_space<vmem>>
      %dma_start3A_290 = arith.constant 0 : i32
      %dma_start3A_291 = arith.constant 0 : i32
      %dma_start3A_292 = tpu.memref_slice %arg8[%dma_start3A_290, %dma_start3A_291] : memref<10112x128xf32, #tpu.memory_space<vmem_shared>> -> memref<10112x128xf32, #tpu.memory_space<vmem_shared>>
      tpu.enqueue_indirect_dma source(%dma_start3A_286 : memref<128x128xf32, #tpu.memory_space<vmem>>) target(%dma_start3A_292 : memref<10112x128xf32, #tpu.memory_space<vmem_shared>>) offsets(%dma_start3A_289 : memref<128xi32, #tpu.memory_space<vmem>>) semaphore(%arg11 : memref<!tpu.dma_semaphore, #tpu.memory_space<semaphore_mem>>) {add = true}
      %dma_wait3A_293 = arith.constant 0 : i32
      %dma_wait3A_294 = arith.constant 1 : i32
      %dma_wait3A_295 = arith.constant 1 : i32
      %dma_wait3A_296 = arith.constant 0 : i32
      %dma_wait3A_297 = arith.constant 0 : i32
      %dma_wait3A_298 = arith.constant 0 : i32
      %dma_wait3A_299 = tpu.memref_slice %arg7[%dma_wait3A_293, %dma_wait3A_297, %dma_wait3A_298] : memref<2x128x128xf32, #tpu.memory_space<vmem>> -> memref<1x128x128xf32, #tpu.memory_space<vmem>>
      %dma_wait3A_300 = tpu.memref_squeeze %dma_wait3A_299 : memref<1x128x128xf32, #tpu.memory_space<vmem>> -> memref<128x128xf32, #tpu.memory_space<vmem>>
      %dma_wait3A_301 = arith.constant 0 : i32
      %dma_wait3A_302 = tpu.memref_slice %arg6[%dma_wait3A_294, %dma_wait3A_295, %dma_wait3A_296, %dma_wait3A_301] : memref<2x2x2x128xi32, #tpu.memory_space<vmem>> -> memref<1x1x1x128xi32, #tpu.memory_space<vmem>>
      %dma_wait3A_303 = tpu.memref_squeeze %dma_wait3A_302 : memref<1x1x1x128xi32, #tpu.memory_space<vmem>> -> memref<128xi32, #tpu.memory_space<vmem>>
      %dma_wait3A_304 = arith.constant 0 : i32
      %dma_wait3A_305 = arith.constant 0 : i32
      %dma_wait3A_306 = tpu.memref_slice %arg8[%dma_wait3A_304, %dma_wait3A_305] : memref<10112x128xf32, #tpu.memory_space<vmem_shared>> -> memref<10112x128xf32, #tpu.memory_space<vmem_shared>>
      tpu.wait_indirect_dma semaphore(%arg11 : memref<!tpu.dma_semaphore, #tpu.memory_space<semaphore_mem>>) src(%dma_wait3A_300 : memref<128x128xf32, #tpu.memory_space<vmem>>) dst(%dma_wait3A_306 : memref<10112x128xf32, #tpu.memory_space<vmem_shared>>)
      %dma_wait3A_307 = arith.constant 1 : i32
      %dma_wait3A_308 = arith.constant 1 : i32
      %dma_wait3A_309 = arith.constant 1 : i32
      %dma_wait3A_310 = arith.constant 1 : i32
      %dma_wait3A_311 = arith.constant 0 : i32
      %dma_wait3A_312 = arith.constant 0 : i32
      %dma_wait3A_313 = tpu.memref_slice %arg7[%dma_wait3A_307, %dma_wait3A_311, %dma_wait3A_312] : memref<2x128x128xf32, #tpu.memory_space<vmem>> -> memref<1x128x128xf32, #tpu.memory_space<vmem>>
      %dma_wait3A_314 = tpu.memref_squeeze %dma_wait3A_313 : memref<1x128x128xf32, #tpu.memory_space<vmem>> -> memref<128x128xf32, #tpu.memory_space<vmem>>
      %dma_wait3A_315 = arith.constant 0 : i32
      %dma_wait3A_316 = tpu.memref_slice %arg6[%dma_wait3A_308, %dma_wait3A_309, %dma_wait3A_310, %dma_wait3A_315] : memref<2x2x2x128xi32, #tpu.memory_space<vmem>> -> memref<1x1x1x128xi32, #tpu.memory_space<vmem>>
      %dma_wait3A_317 = tpu.memref_squeeze %dma_wait3A_316 : memref<1x1x1x128xi32, #tpu.memory_space<vmem>> -> memref<128xi32, #tpu.memory_space<vmem>>
      %dma_wait3A_318 = arith.constant 0 : i32
      %dma_wait3A_319 = arith.constant 0 : i32
      %dma_wait3A_320 = tpu.memref_slice %arg8[%dma_wait3A_318, %dma_wait3A_319] : memref<10112x128xf32, #tpu.memory_space<vmem_shared>> -> memref<10112x128xf32, #tpu.memory_space<vmem_shared>>
      tpu.wait_indirect_dma semaphore(%arg11 : memref<!tpu.dma_semaphore, #tpu.memory_space<semaphore_mem>>) src(%dma_wait3A_314 : memref<128x128xf32, #tpu.memory_space<vmem>>) dst(%dma_wait3A_320 : memref<10112x128xf32, #tpu.memory_space<vmem_shared>>)
      %dma_wait3A_321 = arith.constant 0 : i32
      %dma_wait3A_322 = arith.constant 0 : i32
      %dma_wait3A_323 = arith.constant 0 : i32
      %dma_wait3A_324 = arith.constant 0 : i32
      %dma_wait3A_325 = tpu.memref_slice %arg6[%dma_wait3A_321, %dma_wait3A_322, %dma_wait3A_323, %dma_wait3A_324] : memref<2x2x2x128xi32, #tpu.memory_space<vmem>> -> memref<1x2x2x128xi32, #tpu.memory_space<vmem>>
      %dma_wait3A_326 = tpu.memref_squeeze %dma_wait3A_325 : memref<1x2x2x128xi32, #tpu.memory_space<vmem>> -> memref<2x2x128xi32, #tpu.memory_space<vmem>>
      %dma_wait3A_327 = arith.constant 0 : i32
      %dma_wait3A_328 = arith.constant 0 : i32
      %dma_wait3A_329 = arith.constant 0 : i32
      %dma_wait3A_330 = tpu.memref_slice %arg2[%add3A, %add3A_187, %dma_wait3A_327, %dma_wait3A_328, %dma_wait3A_329] : memref<32x55x2x2x128xi32, #tpu.memory_space<hbm>> -> memref<1x1x2x2x128xi32, #tpu.memory_space<hbm>>
      %dma_wait3A_331 = tpu.memref_squeeze %dma_wait3A_330 : memref<1x1x2x2x128xi32, #tpu.memory_space<hbm>> -> memref<2x2x128xi32, #tpu.memory_space<hbm>>
      %dma_wait3A_332 = arith.constant 0 : i32
      %dma_wait3A_333 = arith.constant 0 : i32
      %dma_wait3A_334 = arith.constant 0 : i32
      %dma_wait3A_335 = tpu.memref_slice %arg6[%dma_wait3A_321, %dma_wait3A_332, %dma_wait3A_333, %dma_wait3A_334] : memref<2x2x2x128xi32, #tpu.memory_space<vmem>> -> memref<1x2x2x128xi32, #tpu.memory_space<vmem>>
      %dma_wait3A_336 = tpu.memref_squeeze %dma_wait3A_335 : memref<1x2x2x128xi32, #tpu.memory_space<vmem>> -> memref<2x2x128xi32, #tpu.memory_space<vmem>>
      %dma_wait3A_337 = arith.constant 0 : i32
      %dma_wait3A_338 = arith.constant 0 : i32
      %dma_wait3A_339 = arith.constant 0 : i32
      %dma_wait3A_340 = tpu.memref_slice %arg2[%add3A, %add3A_187, %dma_wait3A_337, %dma_wait3A_338, %dma_wait3A_339] : memref<32x55x2x2x128xi32, #tpu.memory_space<hbm>> -> memref<1x1x2x2x128xi32, #tpu.memory_space<hbm>>
      %dma_wait3A_341 = tpu.memref_squeeze %dma_wait3A_340 : memref<1x1x2x2x128xi32, #tpu.memory_space<hbm>> -> memref<2x2x128xi32, #tpu.memory_space<hbm>>
      tpu.wait_dma2 semaphore(%arg9 : memref<!tpu.dma_semaphore, #tpu.memory_space<semaphore_mem>>) src(%dma_wait3A_341 : memref<2x2x128xi32, #tpu.memory_space<hbm>>) dst(%dma_wait3A_336 : memref<2x2x128xi32, #tpu.memory_space<vmem>>)
    }
    %while3A_17 = arith.constant 1 : i32
    scf.for %while3A_23 = %while3A_15 to %while3A_11 step %while3A_17  : i32 {
      %mul3A_24 = arith.constant 2 : i32
      %mul3A_25 = arith.muli %mul3A_24, %while3A_23 : i32
      %add3A_26 = arith.constant 0 : i32
      %add3A_27 = arith.addi %mul3A_25, %add3A_26 : i32
      %add3A_28 = arith.constant 1 : i32
      %add3A_29 = arith.addi %add3A_27, %add3A_28 : i32
      %dma_start3A = arith.constant 1 : i32
      %dma_start3A_30 = arith.constant 0 : i32
      %dma_start3A_31 = arith.constant 0 : i32
      %dma_start3A_32 = arith.constant 0 : i32
      %dma_start3A_33 = tpu.memref_slice %arg6[%dma_start3A, %dma_start3A_30, %dma_start3A_31, %dma_start3A_32] : memref<2x2x2x128xi32, #tpu.memory_space<vmem>> -> memref<1x2x2x128xi32, #tpu.memory_space<vmem>>
      %dma_start3A_34 = tpu.memref_squeeze %dma_start3A_33 : memref<1x2x2x128xi32, #tpu.memory_space<vmem>> -> memref<2x2x128xi32, #tpu.memory_space<vmem>>
      %dma_start3A_35 = arith.constant 0 : i32
      %dma_start3A_36 = arith.constant 0 : i32
      %dma_start3A_37 = arith.constant 0 : i32
      %dma_start3A_38 = tpu.memref_slice %arg2[%add3A, %add3A_29, %dma_start3A_35, %dma_start3A_36, %dma_start3A_37] : memref<32x55x2x2x128xi32, #tpu.memory_space<hbm>> -> memref<1x1x2x2x128xi32, #tpu.memory_space<hbm>>
      %dma_start3A_39 = tpu.memref_squeeze %dma_start3A_38 : memref<1x1x2x2x128xi32, #tpu.memory_space<hbm>> -> memref<2x2x128xi32, #tpu.memory_space<hbm>>
      %dma_start3A_40 = arith.constant 0 : i32
      %dma_start3A_41 = arith.constant 0 : i32
      %dma_start3A_42 = arith.constant 0 : i32
      %dma_start3A_43 = tpu.memref_slice %arg6[%dma_start3A, %dma_start3A_40, %dma_start3A_41, %dma_start3A_42] : memref<2x2x2x128xi32, #tpu.memory_space<vmem>> -> memref<1x2x2x128xi32, #tpu.memory_space<vmem>>
      %dma_start3A_44 = tpu.memref_squeeze %dma_start3A_43 : memref<1x2x2x128xi32, #tpu.memory_space<vmem>> -> memref<2x2x128xi32, #tpu.memory_space<vmem>>
      %dma_start3A_45 = arith.constant 0 : i32
      %dma_start3A_46 = arith.constant 0 : i32
      %dma_start3A_47 = arith.constant 0 : i32
      %dma_start3A_48 = tpu.memref_slice %arg2[%add3A, %add3A_29, %dma_start3A_45, %dma_start3A_46, %dma_start3A_47] : memref<32x55x2x2x128xi32, #tpu.memory_space<hbm>> -> memref<1x1x2x2x128xi32, #tpu.memory_space<hbm>>
      %dma_start3A_49 = tpu.memref_squeeze %dma_start3A_48 : memref<1x1x2x2x128xi32, #tpu.memory_space<hbm>> -> memref<2x2x128xi32, #tpu.memory_space<hbm>>
      tpu.enqueue_dma source(%dma_start3A_49 : memref<2x2x128xi32, #tpu.memory_space<hbm>>) target(%dma_start3A_44 : memref<2x2x128xi32, #tpu.memory_space<vmem>>) target_semaphore(%arg9 : memref<!tpu.dma_semaphore, #tpu.memory_space<semaphore_mem>>)
      %dma_start3A_50 = arith.constant 0 : i32
      %dma_start3A_51 = arith.constant 0 : i32
      %dma_start3A_52 = arith.constant 0 : i32
      %dma_start3A_53 = arith.constant 0 : i32
      %dma_start3A_54 = arith.constant 0 : i32
      %dma_start3A_55 = arith.constant 0 : i32
      %dma_start3A_56 = tpu.memref_slice %arg7[%dma_start3A_53, %dma_start3A_54, %dma_start3A_55] : memref<2x128x128xf32, #tpu.memory_space<vmem>> -> memref<1x128x128xf32, #tpu.memory_space<vmem>>
      %dma_start3A_57 = tpu.memref_squeeze %dma_start3A_56 : memref<1x128x128xf32, #tpu.memory_space<vmem>> -> memref<128x128xf32, #tpu.memory_space<vmem>>
      %dma_start3A_58 = arith.constant 0 : i32
      %dma_start3A_59 = tpu.memref_slice %arg6[%dma_start3A_50, %dma_start3A_51, %dma_start3A_52, %dma_start3A_58] : memref<2x2x2x128xi32, #tpu.memory_space<vmem>> -> memref<1x1x1x128xi32, #tpu.memory_space<vmem>>
      %dma_start3A_60 = tpu.memref_squeeze %dma_start3A_59 : memref<1x1x1x128xi32, #tpu.memory_space<vmem>> -> memref<128xi32, #tpu.memory_space<vmem>>
      %dma_start3A_61 = arith.constant 0 : i32
      %dma_start3A_62 = arith.constant 0 : i32
      %dma_start3A_63 = tpu.memref_slice %arg3[%dma_start3A_61, %dma_start3A_62] : memref<270000x128xf32, #tpu.memory_space<hbm>> -> memref<270000x128xf32, #tpu.memory_space<hbm>>
      tpu.enqueue_indirect_dma source(%dma_start3A_63 : memref<270000x128xf32, #tpu.memory_space<hbm>>) target(%dma_start3A_57 : memref<128x128xf32, #tpu.memory_space<vmem>>) offsets(%dma_start3A_60 : memref<128xi32, #tpu.memory_space<vmem>>) semaphore(%arg10 : memref<!tpu.dma_semaphore, #tpu.memory_space<semaphore_mem>>)
      %dma_start3A_64 = arith.constant 0 : i32
      %dma_start3A_65 = arith.constant 0 : i32
      %dma_start3A_66 = arith.constant 1 : i32
      %dma_start3A_67 = arith.constant 1 : i32
      %dma_start3A_68 = arith.constant 0 : i32
      %dma_start3A_69 = arith.constant 0 : i32
      %dma_start3A_70 = tpu.memref_slice %arg7[%dma_start3A_67, %dma_start3A_68, %dma_start3A_69] : memref<2x128x128xf32, #tpu.memory_space<vmem>> -> memref<1x128x128xf32, #tpu.memory_space<vmem>>
      %dma_start3A_71 = tpu.memref_squeeze %dma_start3A_70 : memref<1x128x128xf32, #tpu.memory_space<vmem>> -> memref<128x128xf32, #tpu.memory_space<vmem>>
      %dma_start3A_72 = arith.constant 0 : i32
      %dma_start3A_73 = tpu.memref_slice %arg6[%dma_start3A_64, %dma_start3A_65, %dma_start3A_66, %dma_start3A_72] : memref<2x2x2x128xi32, #tpu.memory_space<vmem>> -> memref<1x1x1x128xi32, #tpu.memory_space<vmem>>
      %dma_start3A_74 = tpu.memref_squeeze %dma_start3A_73 : memref<1x1x1x128xi32, #tpu.memory_space<vmem>> -> memref<128xi32, #tpu.memory_space<vmem>>
      %dma_start3A_75 = arith.constant 0 : i32
      %dma_start3A_76 = arith.constant 0 : i32
      %dma_start3A_77 = tpu.memref_slice %arg3[%dma_start3A_75, %dma_start3A_76] : memref<270000x128xf32, #tpu.memory_space<hbm>> -> memref<270000x128xf32, #tpu.memory_space<hbm>>
      tpu.enqueue_indirect_dma source(%dma_start3A_77 : memref<270000x128xf32, #tpu.memory_space<hbm>>) target(%dma_start3A_71 : memref<128x128xf32, #tpu.memory_space<vmem>>) offsets(%dma_start3A_74 : memref<128xi32, #tpu.memory_space<vmem>>) semaphore(%arg10 : memref<!tpu.dma_semaphore, #tpu.memory_space<semaphore_mem>>)
      %dma_wait3A = arith.constant 0 : i32
      %dma_wait3A_78 = arith.constant 0 : i32
      %dma_wait3A_79 = arith.constant 0 : i32
      %dma_wait3A_80 = arith.constant 0 : i32
      %dma_wait3A_81 = arith.constant 0 : i32
      %dma_wait3A_82 = arith.constant 0 : i32
      %dma_wait3A_83 = tpu.memref_slice %arg7[%dma_wait3A_80, %dma_wait3A_81, %dma_wait3A_82] : memref<2x128x128xf32, #tpu.memory_space<vmem>> -> memref<1x128x128xf32, #tpu.memory_space<vmem>>
      %dma_wait3A_84 = tpu.memref_squeeze %dma_wait3A_83 : memref<1x128x128xf32, #tpu.memory_space<vmem>> -> memref<128x128xf32, #tpu.memory_space<vmem>>
      %dma_wait3A_85 = arith.constant 0 : i32
      %dma_wait3A_86 = tpu.memref_slice %arg6[%dma_wait3A, %dma_wait3A_78, %dma_wait3A_79, %dma_wait3A_85] : memref<2x2x2x128xi32, #tpu.memory_space<vmem>> -> memref<1x1x1x128xi32, #tpu.memory_space<vmem>>
      %dma_wait3A_87 = tpu.memref_squeeze %dma_wait3A_86 : memref<1x1x1x128xi32, #tpu.memory_space<vmem>> -> memref<128xi32, #tpu.memory_space<vmem>>
      %dma_wait3A_88 = arith.constant 0 : i32
      %dma_wait3A_89 = arith.constant 0 : i32
      %dma_wait3A_90 = tpu.memref_slice %arg3[%dma_wait3A_88, %dma_wait3A_89] : memref<270000x128xf32, #tpu.memory_space<hbm>> -> memref<270000x128xf32, #tpu.memory_space<hbm>>
      tpu.wait_indirect_dma semaphore(%arg10 : memref<!tpu.dma_semaphore, #tpu.memory_space<semaphore_mem>>) src(%dma_wait3A_90 : memref<270000x128xf32, #tpu.memory_space<hbm>>) dst(%dma_wait3A_84 : memref<128x128xf32, #tpu.memory_space<vmem>>)
      %dma_start3A_91 = arith.constant 0 : i32
      %dma_start3A_92 = arith.constant 0 : i32
      %dma_start3A_93 = arith.constant 1 : i32
      %dma_start3A_94 = arith.constant 0 : i32
      %dma_start3A_95 = arith.constant 0 : i32
      %dma_start3A_96 = arith.constant 0 : i32
      %dma_start3A_97 = tpu.memref_slice %arg7[%dma_start3A_91, %dma_start3A_95, %dma_start3A_96] : memref<2x128x128xf32, #tpu.memory_space<vmem>> -> memref<1x128x128xf32, #tpu.memory_space<vmem>>
      %dma_start3A_98 = tpu.memref_squeeze %dma_start3A_97 : memref<1x128x128xf32, #tpu.memory_space<vmem>> -> memref<128x128xf32, #tpu.memory_space<vmem>>
      %dma_start3A_99 = arith.constant 0 : i32
      %dma_start3A_100 = tpu.memref_slice %arg6[%dma_start3A_92, %dma_start3A_93, %dma_start3A_94, %dma_start3A_99] : memref<2x2x2x128xi32, #tpu.memory_space<vmem>> -> memref<1x1x1x128xi32, #tpu.memory_space<vmem>>
      %dma_start3A_101 = tpu.memref_squeeze %dma_start3A_100 : memref<1x1x1x128xi32, #tpu.memory_space<vmem>> -> memref<128xi32, #tpu.memory_space<vmem>>
      %dma_start3A_102 = arith.constant 0 : i32
      %dma_start3A_103 = arith.constant 0 : i32
      %dma_start3A_104 = tpu.memref_slice %arg8[%dma_start3A_102, %dma_start3A_103] : memref<10112x128xf32, #tpu.memory_space<vmem_shared>> -> memref<10112x128xf32, #tpu.memory_space<vmem_shared>>
      tpu.enqueue_indirect_dma source(%dma_start3A_98 : memref<128x128xf32, #tpu.memory_space<vmem>>) target(%dma_start3A_104 : memref<10112x128xf32, #tpu.memory_space<vmem_shared>>) offsets(%dma_start3A_101 : memref<128xi32, #tpu.memory_space<vmem>>) semaphore(%arg11 : memref<!tpu.dma_semaphore, #tpu.memory_space<semaphore_mem>>) {add = true}
      %dma_wait3A_105 = arith.constant 0 : i32
      %dma_wait3A_106 = arith.constant 0 : i32
      %dma_wait3A_107 = arith.constant 1 : i32
      %dma_wait3A_108 = arith.constant 1 : i32
      %dma_wait3A_109 = arith.constant 0 : i32
      %dma_wait3A_110 = arith.constant 0 : i32
      %dma_wait3A_111 = tpu.memref_slice %arg7[%dma_wait3A_108, %dma_wait3A_109, %dma_wait3A_110] : memref<2x128x128xf32, #tpu.memory_space<vmem>> -> memref<1x128x128xf32, #tpu.memory_space<vmem>>
      %dma_wait3A_112 = tpu.memref_squeeze %dma_wait3A_111 : memref<1x128x128xf32, #tpu.memory_space<vmem>> -> memref<128x128xf32, #tpu.memory_space<vmem>>
      %dma_wait3A_113 = arith.constant 0 : i32
      %dma_wait3A_114 = tpu.memref_slice %arg6[%dma_wait3A_105, %dma_wait3A_106, %dma_wait3A_107, %dma_wait3A_113] : memref<2x2x2x128xi32, #tpu.memory_space<vmem>> -> memref<1x1x1x128xi32, #tpu.memory_space<vmem>>
      %dma_wait3A_115 = tpu.memref_squeeze %dma_wait3A_114 : memref<1x1x1x128xi32, #tpu.memory_space<vmem>> -> memref<128xi32, #tpu.memory_space<vmem>>
      %dma_wait3A_116 = arith.constant 0 : i32
      %dma_wait3A_117 = arith.constant 0 : i32
      %dma_wait3A_118 = tpu.memref_slice %arg3[%dma_wait3A_116, %dma_wait3A_117] : memref<270000x128xf32, #tpu.memory_space<hbm>> -> memref<270000x128xf32, #tpu.memory_space<hbm>>
      tpu.wait_indirect_dma semaphore(%arg10 : memref<!tpu.dma_semaphore, #tpu.memory_space<semaphore_mem>>) src(%dma_wait3A_118 : memref<270000x128xf32, #tpu.memory_space<hbm>>) dst(%dma_wait3A_112 : memref<128x128xf32, #tpu.memory_space<vmem>>)
      %dma_start3A_119 = arith.constant 1 : i32
      %dma_start3A_120 = arith.constant 0 : i32
      %dma_start3A_121 = arith.constant 1 : i32
      %dma_start3A_122 = arith.constant 1 : i32
      %dma_start3A_123 = arith.constant 0 : i32
      %dma_start3A_124 = arith.constant 0 : i32
      %dma_start3A_125 = tpu.memref_slice %arg7[%dma_start3A_119, %dma_start3A_123, %dma_start3A_124] : memref<2x128x128xf32, #tpu.memory_space<vmem>> -> memref<1x128x128xf32, #tpu.memory_space<vmem>>
      %dma_start3A_126 = tpu.memref_squeeze %dma_start3A_125 : memref<1x128x128xf32, #tpu.memory_space<vmem>> -> memref<128x128xf32, #tpu.memory_space<vmem>>
      %dma_start3A_127 = arith.constant 0 : i32
      %dma_start3A_128 = tpu.memref_slice %arg6[%dma_start3A_120, %dma_start3A_121, %dma_start3A_122, %dma_start3A_127] : memref<2x2x2x128xi32, #tpu.memory_space<vmem>> -> memref<1x1x1x128xi32, #tpu.memory_space<vmem>>
      %dma_start3A_129 = tpu.memref_squeeze %dma_start3A_128 : memref<1x1x1x128xi32, #tpu.memory_space<vmem>> -> memref<128xi32, #tpu.memory_space<vmem>>
      %dma_start3A_130 = arith.constant 0 : i32
      %dma_start3A_131 = arith.constant 0 : i32
      %dma_start3A_132 = tpu.memref_slice %arg8[%dma_start3A_130, %dma_start3A_131] : memref<10112x128xf32, #tpu.memory_space<vmem_shared>> -> memref<10112x128xf32, #tpu.memory_space<vmem_shared>>
      tpu.enqueue_indirect_dma source(%dma_start3A_126 : memref<128x128xf32, #tpu.memory_space<vmem>>) target(%dma_start3A_132 : memref<10112x128xf32, #tpu.memory_space<vmem_shared>>) offsets(%dma_start3A_129 : memref<128xi32, #tpu.memory_space<vmem>>) semaphore(%arg11 : memref<!tpu.dma_semaphore, #tpu.memory_space<semaphore_mem>>) {add = true}
      %dma_wait3A_133 = arith.constant 0 : i32
      %dma_wait3A_134 = arith.constant 0 : i32
      %dma_wait3A_135 = arith.constant 1 : i32
      %dma_wait3A_136 = arith.constant 0 : i32
      %dma_wait3A_137 = arith.constant 0 : i32
      %dma_wait3A_138 = arith.constant 0 : i32
      %dma_wait3A_139 = tpu.memref_slice %arg7[%dma_wait3A_133, %dma_wait3A_137, %dma_wait3A_138] : memref<2x128x128xf32, #tpu.memory_space<vmem>> -> memref<1x128x128xf32, #tpu.memory_space<vmem>>
      %dma_wait3A_140 = tpu.memref_squeeze %dma_wait3A_139 : memref<1x128x128xf32, #tpu.memory_space<vmem>> -> memref<128x128xf32, #tpu.memory_space<vmem>>
      %dma_wait3A_141 = arith.constant 0 : i32
      %dma_wait3A_142 = tpu.memref_slice %arg6[%dma_wait3A_134, %dma_wait3A_135, %dma_wait3A_136, %dma_wait3A_141] : memref<2x2x2x128xi32, #tpu.memory_space<vmem>> -> memref<1x1x1x128xi32, #tpu.memory_space<vmem>>
      %dma_wait3A_143 = tpu.memref_squeeze %dma_wait3A_142 : memref<1x1x1x128xi32, #tpu.memory_space<vmem>> -> memref<128xi32, #tpu.memory_space<vmem>>
      %dma_wait3A_144 = arith.constant 0 : i32
      %dma_wait3A_145 = arith.constant 0 : i32
      %dma_wait3A_146 = tpu.memref_slice %arg8[%dma_wait3A_144, %dma_wait3A_145] : memref<10112x128xf32, #tpu.memory_space<vmem_shared>> -> memref<10112x128xf32, #tpu.memory_space<vmem_shared>>
      tpu.wait_indirect_dma semaphore(%arg11 : memref<!tpu.dma_semaphore, #tpu.memory_space<semaphore_mem>>) src(%dma_wait3A_140 : memref<128x128xf32, #tpu.memory_space<vmem>>) dst(%dma_wait3A_146 : memref<10112x128xf32, #tpu.memory_space<vmem_shared>>)
      %dma_wait3A_147 = arith.constant 1 : i32
      %dma_wait3A_148 = arith.constant 0 : i32
      %dma_wait3A_149 = arith.constant 1 : i32
      %dma_wait3A_150 = arith.constant 1 : i32
      %dma_wait3A_151 = arith.constant 0 : i32
      %dma_wait3A_152 = arith.constant 0 : i32
      %dma_wait3A_153 = tpu.memref_slice %arg7[%dma_wait3A_147, %dma_wait3A_151, %dma_wait3A_152] : memref<2x128x128xf32, #tpu.memory_space<vmem>> -> memref<1x128x128xf32, #tpu.memory_space<vmem>>
      %dma_wait3A_154 = tpu.memref_squeeze %dma_wait3A_153 : memref<1x128x128xf32, #tpu.memory_space<vmem>> -> memref<128x128xf32, #tpu.memory_space<vmem>>
      %dma_wait3A_155 = arith.constant 0 : i32
      %dma_wait3A_156 = tpu.memref_slice %arg6[%dma_wait3A_148, %dma_wait3A_149, %dma_wait3A_150, %dma_wait3A_155] : memref<2x2x2x128xi32, #tpu.memory_space<vmem>> -> memref<1x1x1x128xi32, #tpu.memory_space<vmem>>
      %dma_wait3A_157 = tpu.memref_squeeze %dma_wait3A_156 : memref<1x1x1x128xi32, #tpu.memory_space<vmem>> -> memref<128xi32, #tpu.memory_space<vmem>>
      %dma_wait3A_158 = arith.constant 0 : i32
      %dma_wait3A_159 = arith.constant 0 : i32
      %dma_wait3A_160 = tpu.memref_slice %arg8[%dma_wait3A_158, %dma_wait3A_159] : memref<10112x128xf32, #tpu.memory_space<vmem_shared>> -> memref<10112x128xf32, #tpu.memory_space<vmem_shared>>
      tpu.wait_indirect_dma semaphore(%arg11 : memref<!tpu.dma_semaphore, #tpu.memory_space<semaphore_mem>>) src(%dma_wait3A_154 : memref<128x128xf32, #tpu.memory_space<vmem>>) dst(%dma_wait3A_160 : memref<10112x128xf32, #tpu.memory_space<vmem_shared>>)
      %dma_wait3A_161 = arith.constant 1 : i32
      %dma_wait3A_162 = arith.constant 0 : i32
      %dma_wait3A_163 = arith.constant 0 : i32
      %dma_wait3A_164 = arith.constant 0 : i32
      %dma_wait3A_165 = tpu.memref_slice %arg6[%dma_wait3A_161, %dma_wait3A_162, %dma_wait3A_163, %dma_wait3A_164] : memref<2x2x2x128xi32, #tpu.memory_space<vmem>> -> memref<1x2x2x128xi32, #tpu.memory_space<vmem>>
      %dma_wait3A_166 = tpu.memref_squeeze %dma_wait3A_165 : memref<1x2x2x128xi32, #tpu.memory_space<vmem>> -> memref<2x2x128xi32, #tpu.memory_space<vmem>>
      %dma_wait3A_167 = arith.constant 0 : i32
      %dma_wait3A_168 = arith.constant 0 : i32
      %dma_wait3A_169 = arith.constant 0 : i32
      %dma_wait3A_170 = tpu.memref_slice %arg2[%add3A, %add3A_29, %dma_wait3A_167, %dma_wait3A_168, %dma_wait3A_169] : memref<32x55x2x2x128xi32, #tpu.memory_space<hbm>> -> memref<1x1x2x2x128xi32, #tpu.memory_space<hbm>>
      %dma_wait3A_171 = tpu.memref_squeeze %dma_wait3A_170 : memref<1x1x2x2x128xi32, #tpu.memory_space<hbm>> -> memref<2x2x128xi32, #tpu.memory_space<hbm>>
      %dma_wait3A_172 = arith.constant 0 : i32
      %dma_wait3A_173 = arith.constant 0 : i32
      %dma_wait3A_174 = arith.constant 0 : i32
      %dma_wait3A_175 = tpu.memref_slice %arg6[%dma_wait3A_161, %dma_wait3A_172, %dma_wait3A_173, %dma_wait3A_174] : memref<2x2x2x128xi32, #tpu.memory_space<vmem>> -> memref<1x2x2x128xi32, #tpu.memory_space<vmem>>
      %dma_wait3A_176 = tpu.memref_squeeze %dma_wait3A_175 : memref<1x2x2x128xi32, #tpu.memory_space<vmem>> -> memref<2x2x128xi32, #tpu.memory_space<vmem>>
      %dma_wait3A_177 = arith.constant 0 : i32
      %dma_wait3A_178 = arith.constant 0 : i32
      %dma_wait3A_179 = arith.constant 0 : i32
      %dma_wait3A_180 = tpu.memref_slice %arg2[%add3A, %add3A_29, %dma_wait3A_177, %dma_wait3A_178, %dma_wait3A_179] : memref<32x55x2x2x128xi32, #tpu.memory_space<hbm>> -> memref<1x1x2x2x128xi32, #tpu.memory_space<hbm>>
      %dma_wait3A_181 = tpu.memref_squeeze %dma_wait3A_180 : memref<1x1x2x2x128xi32, #tpu.memory_space<hbm>> -> memref<2x2x128xi32, #tpu.memory_space<hbm>>
      tpu.wait_dma2 semaphore(%arg9 : memref<!tpu.dma_semaphore, #tpu.memory_space<semaphore_mem>>) src(%dma_wait3A_181 : memref<2x2x128xi32, #tpu.memory_space<hbm>>) dst(%dma_wait3A_176 : memref<2x2x128xi32, #tpu.memory_space<vmem>>)
      %mul3A_182 = arith.constant 2 : i32
      %mul3A_183 = arith.muli %mul3A_182, %while3A_23 : i32
      %add3A_184 = arith.constant 1 : i32
      %add3A_185 = arith.addi %mul3A_183, %add3A_184 : i32
      %add3A_186 = arith.constant 1 : i32
      %add3A_187 = arith.addi %add3A_185, %add3A_186 : i32
      %dma_start3A_188 = arith.constant 0 : i32
      %dma_start3A_189 = arith.constant 0 : i32
      %dma_start3A_190 = arith.constant 0 : i32
      %dma_start3A_191 = arith.constant 0 : i32
      %dma_start3A_192 = tpu.memref_slice %arg6[%dma_start3A_188, %dma_start3A_189, %dma_start3A_190, %dma_start3A_191] : memref<2x2x2x128xi32, #tpu.memory_space<vmem>> -> memref<1x2x2x128xi32, #tpu.memory_space<vmem>>
      %dma_start3A_193 = tpu.memref_squeeze %dma_start3A_192 : memref<1x2x2x128xi32, #tpu.memory_space<vmem>> -> memref<2x2x128xi32, #tpu.memory_space<vmem>>
      %dma_start3A_194 = arith.constant 0 : i32
      %dma_start3A_195 = arith.constant 0 : i32
      %dma_start3A_196 = arith.constant 0 : i32
      %dma_start3A_197 = tpu.memref_slice %arg2[%add3A, %add3A_187, %dma_start3A_194, %dma_start3A_195, %dma_start3A_196] : memref<32x55x2x2x128xi32, #tpu.memory_space<hbm>> -> memref<1x1x2x2x128xi32, #tpu.memory_space<hbm>>
      %dma_start3A_198 = tpu.memref_squeeze %dma_start3A_197 : memref<1x1x2x2x128xi32, #tpu.memory_space<hbm>> -> memref<2x2x128xi32, #tpu.memory_space<hbm>>
      %dma_start3A_199 = arith.constant 0 : i32
      %dma_start3A_200 = arith.constant 0 : i32
      %dma_start3A_201 = arith.constant 0 : i32
      %dma_start3A_202 = tpu.memref_slice %arg6[%dma_start3A_188, %dma_start3A_199, %dma_start3A_200, %dma_start3A_201] : memref<2x2x2x128xi32, #tpu.memory_space<vmem>> -> memref<1x2x2x128xi32, #tpu.memory_space<vmem>>
      %dma_start3A_203 = tpu.memref_squeeze %dma_start3A_202 : memref<1x2x2x128xi32, #tpu.memory_space<vmem>> -> memref<2x2x128xi32, #tpu.memory_space<vmem>>
      %dma_start3A_204 = arith.constant 0 : i32
      %dma_start3A_205 = arith.constant 0 : i32
      %dma_start3A_206 = arith.constant 0 : i32
      %dma_start3A_207 = tpu.memref_slice %arg2[%add3A, %add3A_187, %dma_start3A_204, %dma_start3A_205, %dma_start3A_206] : memref<32x55x2x2x128xi32, #tpu.memory_space<hbm>> -> memref<1x1x2x2x128xi32, #tpu.memory_space<hbm>>
      %dma_start3A_208 = tpu.memref_squeeze %dma_start3A_207 : memref<1x1x2x2x128xi32, #tpu.memory_space<hbm>> -> memref<2x2x128xi32, #tpu.memory_space<hbm>>
      tpu.enqueue_dma source(%dma_start3A_208 : memref<2x2x128xi32, #tpu.memory_space<hbm>>) target(%dma_start3A_203 : memref<2x2x128xi32, #tpu.memory_space<vmem>>) target_semaphore(%arg9 : memref<!tpu.dma_semaphore, #tpu.memory_space<semaphore_mem>>)
      %dma_start3A_209 = arith.constant 1 : i32
      %dma_start3A_210 = arith.constant 0 : i32
      %dma_start3A_211 = arith.constant 0 : i32
      %dma_start3A_212 = arith.constant 0 : i32
      %dma_start3A_213 = arith.constant 0 : i32
      %dma_start3A_214 = arith.constant 0 : i32
      %dma_start3A_215 = tpu.memref_slice %arg7[%dma_start3A_212, %dma_start3A_213, %dma_start3A_214] : memref<2x128x128xf32, #tpu.memory_space<vmem>> -> memref<1x128x128xf32, #tpu.memory_space<vmem>>
      %dma_start3A_216 = tpu.memref_squeeze %dma_start3A_215 : memref<1x128x128xf32, #tpu.memory_space<vmem>> -> memref<128x128xf32, #tpu.memory_space<vmem>>
      %dma_start3A_217 = arith.constant 0 : i32
      %dma_start3A_218 = tpu.memref_slice %arg6[%dma_start3A_209, %dma_start3A_210, %dma_start3A_211, %dma_start3A_217] : memref<2x2x2x128xi32, #tpu.memory_space<vmem>> -> memref<1x1x1x128xi32, #tpu.memory_space<vmem>>
      %dma_start3A_219 = tpu.memref_squeeze %dma_start3A_218 : memref<1x1x1x128xi32, #tpu.memory_space<vmem>> -> memref<128xi32, #tpu.memory_space<vmem>>
      %dma_start3A_220 = arith.constant 0 : i32
      %dma_start3A_221 = arith.constant 0 : i32
      %dma_start3A_222 = tpu.memref_slice %arg3[%dma_start3A_220, %dma_start3A_221] : memref<270000x128xf32, #tpu.memory_space<hbm>> -> memref<270000x128xf32, #tpu.memory_space<hbm>>
      tpu.enqueue_indirect_dma source(%dma_start3A_222 : memref<270000x128xf32, #tpu.memory_space<hbm>>) target(%dma_start3A_216 : memref<128x128xf32, #tpu.memory_space<vmem>>) offsets(%dma_start3A_219 : memref<128xi32, #tpu.memory_space<vmem>>) semaphore(%arg10 : memref<!tpu.dma_semaphore, #tpu.memory_space<semaphore_mem>>)
      %dma_start3A_223 = arith.constant 1 : i32
      %dma_start3A_224 = arith.constant 0 : i32
      %dma_start3A_225 = arith.constant 1 : i32
      %dma_start3A_226 = arith.constant 1 : i32
      %dma_start3A_227 = arith.constant 0 : i32
      %dma_start3A_228 = arith.constant 0 : i32
      %dma_start3A_229 = tpu.memref_slice %arg7[%dma_start3A_226, %dma_start3A_227, %dma_start3A_228] : memref<2x128x128xf32, #tpu.memory_space<vmem>> -> memref<1x128x128xf32, #tpu.memory_space<vmem>>
      %dma_start3A_230 = tpu.memref_squeeze %dma_start3A_229 : memref<1x128x128xf32, #tpu.memory_space<vmem>> -> memref<128x128xf32, #tpu.memory_space<vmem>>
      %dma_start3A_231 = arith.constant 0 : i32
      %dma_start3A_232 = tpu.memref_slice %arg6[%dma_start3A_223, %dma_start3A_224, %dma_start3A_225, %dma_start3A_231] : memref<2x2x2x128xi32, #tpu.memory_space<vmem>> -> memref<1x1x1x128xi32, #tpu.memory_space<vmem>>
      %dma_start3A_233 = tpu.memref_squeeze %dma_start3A_232 : memref<1x1x1x128xi32, #tpu.memory_space<vmem>> -> memref<128xi32, #tpu.memory_space<vmem>>
      %dma_start3A_234 = arith.constant 0 : i32
      %dma_start3A_235 = arith.constant 0 : i32
      %dma_start3A_236 = tpu.memref_slice %arg3[%dma_start3A_234, %dma_start3A_235] : memref<270000x128xf32, #tpu.memory_space<hbm>> -> memref<270000x128xf32, #tpu.memory_space<hbm>>
      tpu.enqueue_indirect_dma source(%dma_start3A_236 : memref<270000x128xf32, #tpu.memory_space<hbm>>) target(%dma_start3A_230 : memref<128x128xf32, #tpu.memory_space<vmem>>) offsets(%dma_start3A_233 : memref<128xi32, #tpu.memory_space<vmem>>) semaphore(%arg10 : memref<!tpu.dma_semaphore, #tpu.memory_space<semaphore_mem>>)
      %dma_wait3A_237 = arith.constant 1 : i32
      %dma_wait3A_238 = arith.constant 0 : i32
      %dma_wait3A_239 = arith.constant 0 : i32
      %dma_wait3A_240 = arith.constant 0 : i32
      %dma_wait3A_241 = arith.constant 0 : i32
      %dma_wait3A_242 = arith.constant 0 : i32
      %dma_wait3A_243 = tpu.memref_slice %arg7[%dma_wait3A_240, %dma_wait3A_241, %dma_wait3A_242] : memref<2x128x128xf32, #tpu.memory_space<vmem>> -> memref<1x128x128xf32, #tpu.memory_space<vmem>>
      %dma_wait3A_244 = tpu.memref_squeeze %dma_wait3A_243 : memref<1x128x128xf32, #tpu.memory_space<vmem>> -> memref<128x128xf32, #tpu.memory_space<vmem>>
      %dma_wait3A_245 = arith.constant 0 : i32
      %dma_wait3A_246 = tpu.memref_slice %arg6[%dma_wait3A_237, %dma_wait3A_238, %dma_wait3A_239, %dma_wait3A_245] : memref<2x2x2x128xi32, #tpu.memory_space<vmem>> -> memref<1x1x1x128xi32, #tpu.memory_space<vmem>>
      %dma_wait3A_247 = tpu.memref_squeeze %dma_wait3A_246 : memref<1x1x1x128xi32, #tpu.memory_space<vmem>> -> memref<128xi32, #tpu.memory_space<vmem>>
      %dma_wait3A_248 = arith.constant 0 : i32
      %dma_wait3A_249 = arith.constant 0 : i32
      %dma_wait3A_250 = tpu.memref_slice %arg3[%dma_wait3A_248, %dma_wait3A_249] : memref<270000x128xf32, #tpu.memory_space<hbm>> -> memref<270000x128xf32, #tpu.memory_space<hbm>>
      tpu.wait_indirect_dma semaphore(%arg10 : memref<!tpu.dma_semaphore, #tpu.memory_space<semaphore_mem>>) src(%dma_wait3A_250 : memref<270000x128xf32, #tpu.memory_space<hbm>>) dst(%dma_wait3A_244 : memref<128x128xf32, #tpu.memory_space<vmem>>)
      %dma_start3A_251 = arith.constant 0 : i32
      %dma_start3A_252 = arith.constant 1 : i32
      %dma_start3A_253 = arith.constant 1 : i32
      %dma_start3A_254 = arith.constant 0 : i32
      %dma_start3A_255 = arith.constant 0 : i32
      %dma_start3A_256 = arith.constant 0 : i32
      %dma_start3A_257 = tpu.memref_slice %arg7[%dma_start3A_251, %dma_start3A_255, %dma_start3A_256] : memref<2x128x128xf32, #tpu.memory_space<vmem>> -> memref<1x128x128xf32, #tpu.memory_space<vmem>>
      %dma_start3A_258 = tpu.memref_squeeze %dma_start3A_257 : memref<1x128x128xf32, #tpu.memory_space<vmem>> -> memref<128x128xf32, #tpu.memory_space<vmem>>
      %dma_start3A_259 = arith.constant 0 : i32
      %dma_start3A_260 = tpu.memref_slice %arg6[%dma_start3A_252, %dma_start3A_253, %dma_start3A_254, %dma_start3A_259] : memref<2x2x2x128xi32, #tpu.memory_space<vmem>> -> memref<1x1x1x128xi32, #tpu.memory_space<vmem>>
      %dma_start3A_261 = tpu.memref_squeeze %dma_start3A_260 : memref<1x1x1x128xi32, #tpu.memory_space<vmem>> -> memref<128xi32, #tpu.memory_space<vmem>>
      %dma_start3A_262 = arith.constant 0 : i32
      %dma_start3A_263 = arith.constant 0 : i32
      %dma_start3A_264 = tpu.memref_slice %arg8[%dma_start3A_262, %dma_start3A_263] : memref<10112x128xf32, #tpu.memory_space<vmem_shared>> -> memref<10112x128xf32, #tpu.memory_space<vmem_shared>>
      tpu.enqueue_indirect_dma source(%dma_start3A_258 : memref<128x128xf32, #tpu.memory_space<vmem>>) target(%dma_start3A_264 : memref<10112x128xf32, #tpu.memory_space<vmem_shared>>) offsets(%dma_start3A_261 : memref<128xi32, #tpu.memory_space<vmem>>) semaphore(%arg11 : memref<!tpu.dma_semaphore, #tpu.memory_space<semaphore_mem>>) {add = true}
      %dma_wait3A_265 = arith.constant 1 : i32
      %dma_wait3A_266 = arith.constant 0 : i32
      %dma_wait3A_267 = arith.constant 1 : i32
      %dma_wait3A_268 = arith.constant 1 : i32
      %dma_wait3A_269 = arith.constant 0 : i32
      %dma_wait3A_270 = arith.constant 0 : i32
      %dma_wait3A_271 = tpu.memref_slice %arg7[%dma_wait3A_268, %dma_wait3A_269, %dma_wait3A_270] : memref<2x128x128xf32, #tpu.memory_space<vmem>> -> memref<1x128x128xf32, #tpu.memory_space<vmem>>
      %dma_wait3A_272 = tpu.memref_squeeze %dma_wait3A_271 : memref<1x128x128xf32, #tpu.memory_space<vmem>> -> memref<128x128xf32, #tpu.memory_space<vmem>>
      %dma_wait3A_273 = arith.constant 0 : i32
      %dma_wait3A_274 = tpu.memref_slice %arg6[%dma_wait3A_265, %dma_wait3A_266, %dma_wait3A_267, %dma_wait3A_273] : memref<2x2x2x128xi32, #tpu.memory_space<vmem>> -> memref<1x1x1x128xi32, #tpu.memory_space<vmem>>
      %dma_wait3A_275 = tpu.memref_squeeze %dma_wait3A_274 : memref<1x1x1x128xi32, #tpu.memory_space<vmem>> -> memref<128xi32, #tpu.memory_space<vmem>>
      %dma_wait3A_276 = arith.constant 0 : i32
      %dma_wait3A_277 = arith.constant 0 : i32
      %dma_wait3A_278 = tpu.memref_slice %arg3[%dma_wait3A_276, %dma_wait3A_277] : memref<270000x128xf32, #tpu.memory_space<hbm>> -> memref<270000x128xf32, #tpu.memory_space<hbm>>
      tpu.wait_indirect_dma semaphore(%arg10 : memref<!tpu.dma_semaphore, #tpu.memory_space<semaphore_mem>>) src(%dma_wait3A_278 : memref<270000x128xf32, #tpu.memory_space<hbm>>) dst(%dma_wait3A_272 : memref<128x128xf32, #tpu.memory_space<vmem>>)
      %dma_start3A_279 = arith.constant 1 : i32
      %dma_start3A_280 = arith.constant 1 : i32
      %dma_start3A_281 = arith.constant 1 : i32
      %dma_start3A_282 = arith.constant 1 : i32
      %dma_start3A_283 = arith.constant 0 : i32
      %dma_start3A_284 = arith.constant 0 : i32
      %dma_start3A_285 = tpu.memref_slice %arg7[%dma_start3A_279, %dma_start3A_283, %dma_start3A_284] : memref<2x128x128xf32, #tpu.memory_space<vmem>> -> memref<1x128x128xf32, #tpu.memory_space<vmem>>
      %dma_start3A_286 = tpu.memref_squeeze %dma_start3A_285 : memref<1x128x128xf32, #tpu.memory_space<vmem>> -> memref<128x128xf32, #tpu.memory_space<vmem>>
      %dma_start3A_287 = arith.constant 0 : i32
      %dma_start3A_288 = tpu.memref_slice %arg6[%dma_start3A_280, %dma_start3A_281, %dma_start3A_282, %dma_start3A_287] : memref<2x2x2x128xi32, #tpu.memory_space<vmem>> -> memref<1x1x1x128xi32, #tpu.memory_space<vmem>>
      %dma_start3A_289 = tpu.memref_squeeze %dma_start3A_288 : memref<1x1x1x128xi32, #tpu.memory_space<vmem>> -> memref<128xi32, #tpu.memory_space<vmem>>
      %dma_start3A_290 = arith.constant 0 : i32
      %dma_start3A_291 = arith.constant 0 : i32
      %dma_start3A_292 = tpu.memref_slice %arg8[%dma_start3A_290, %dma_start3A_291] : memref<10112x128xf32, #tpu.memory_space<vmem_shared>> -> memref<10112x128xf32, #tpu.memory_space<vmem_shared>>
      tpu.enqueue_indirect_dma source(%dma_start3A_286 : memref<128x128xf32, #tpu.memory_space<vmem>>) target(%dma_start3A_292 : memref<10112x128xf32, #tpu.memory_space<vmem_shared>>) offsets(%dma_start3A_289 : memref<128xi32, #tpu.memory_space<vmem>>) semaphore(%arg11 : memref<!tpu.dma_semaphore, #tpu.memory_space<semaphore_mem>>) {add = true}
      %dma_wait3A_293 = arith.constant 0 : i32
      %dma_wait3A_294 = arith.constant 1 : i32
      %dma_wait3A_295 = arith.constant 1 : i32
      %dma_wait3A_296 = arith.constant 0 : i32
      %dma_wait3A_297 = arith.constant 0 : i32
      %dma_wait3A_298 = arith.constant 0 : i32
      %dma_wait3A_299 = tpu.memref_slice %arg7[%dma_wait3A_293, %dma_wait3A_297, %dma_wait3A_298] : memref<2x128x128xf32, #tpu.memory_space<vmem>> -> memref<1x128x128xf32, #tpu.memory_space<vmem>>
      %dma_wait3A_300 = tpu.memref_squeeze %dma_wait3A_299 : memref<1x128x128xf32, #tpu.memory_space<vmem>> -> memref<128x128xf32, #tpu.memory_space<vmem>>
      %dma_wait3A_301 = arith.constant 0 : i32
      %dma_wait3A_302 = tpu.memref_slice %arg6[%dma_wait3A_294, %dma_wait3A_295, %dma_wait3A_296, %dma_wait3A_301] : memref<2x2x2x128xi32, #tpu.memory_space<vmem>> -> memref<1x1x1x128xi32, #tpu.memory_space<vmem>>
      %dma_wait3A_303 = tpu.memref_squeeze %dma_wait3A_302 : memref<1x1x1x128xi32, #tpu.memory_space<vmem>> -> memref<128xi32, #tpu.memory_space<vmem>>
      %dma_wait3A_304 = arith.constant 0 : i32
      %dma_wait3A_305 = arith.constant 0 : i32
      %dma_wait3A_306 = tpu.memref_slice %arg8[%dma_wait3A_304, %dma_wait3A_305] : memref<10112x128xf32, #tpu.memory_space<vmem_shared>> -> memref<10112x128xf32, #tpu.memory_space<vmem_shared>>
      tpu.wait_indirect_dma semaphore(%arg11 : memref<!tpu.dma_semaphore, #tpu.memory_space<semaphore_mem>>) src(%dma_wait3A_300 : memref<128x128xf32, #tpu.memory_space<vmem>>) dst(%dma_wait3A_306 : memref<10112x128xf32, #tpu.memory_space<vmem_shared>>)
      %dma_wait3A_307 = arith.constant 1 : i32
      %dma_wait3A_308 = arith.constant 1 : i32
      %dma_wait3A_309 = arith.constant 1 : i32
      %dma_wait3A_310 = arith.constant 1 : i32
      %dma_wait3A_311 = arith.constant 0 : i32
      %dma_wait3A_312 = arith.constant 0 : i32
      %dma_wait3A_313 = tpu.memref_slice %arg7[%dma_wait3A_307, %dma_wait3A_311, %dma_wait3A_312] : memref<2x128x128xf32, #tpu.memory_space<vmem>> -> memref<1x128x128xf32, #tpu.memory_space<vmem>>
      %dma_wait3A_314 = tpu.memref_squeeze %dma_wait3A_313 : memref<1x128x128xf32, #tpu.memory_space<vmem>> -> memref<128x128xf32, #tpu.memory_space<vmem>>
      %dma_wait3A_315 = arith.constant 0 : i32
      %dma_wait3A_316 = tpu.memref_slice %arg6[%dma_wait3A_308, %dma_wait3A_309, %dma_wait3A_310, %dma_wait3A_315] : memref<2x2x2x128xi32, #tpu.memory_space<vmem>> -> memref<1x1x1x128xi32, #tpu.memory_space<vmem>>
      %dma_wait3A_317 = tpu.memref_squeeze %dma_wait3A_316 : memref<1x1x1x128xi32, #tpu.memory_space<vmem>> -> memref<128xi32, #tpu.memory_space<vmem>>
      %dma_wait3A_318 = arith.constant 0 : i32
      %dma_wait3A_319 = arith.constant 0 : i32
      %dma_wait3A_320 = tpu.memref_slice %arg8[%dma_wait3A_318, %dma_wait3A_319] : memref<10112x128xf32, #tpu.memory_space<vmem_shared>> -> memref<10112x128xf32, #tpu.memory_space<vmem_shared>>
      tpu.wait_indirect_dma semaphore(%arg11 : memref<!tpu.dma_semaphore, #tpu.memory_space<semaphore_mem>>) src(%dma_wait3A_314 : memref<128x128xf32, #tpu.memory_space<vmem>>) dst(%dma_wait3A_320 : memref<10112x128xf32, #tpu.memory_space<vmem_shared>>)
      %dma_wait3A_321 = arith.constant 0 : i32
      %dma_wait3A_322 = arith.constant 0 : i32
      %dma_wait3A_323 = arith.constant 0 : i32
      %dma_wait3A_324 = arith.constant 0 : i32
      %dma_wait3A_325 = tpu.memref_slice %arg6[%dma_wait3A_321, %dma_wait3A_322, %dma_wait3A_323, %dma_wait3A_324] : memref<2x2x2x128xi32, #tpu.memory_space<vmem>> -> memref<1x2x2x128xi32, #tpu.memory_space<vmem>>
      %dma_wait3A_326 = tpu.memref_squeeze %dma_wait3A_325 : memref<1x2x2x128xi32, #tpu.memory_space<vmem>> -> memref<2x2x128xi32, #tpu.memory_space<vmem>>
      %dma_wait3A_327 = arith.constant 0 : i32
      %dma_wait3A_328 = arith.constant 0 : i32
      %dma_wait3A_329 = arith.constant 0 : i32
      %dma_wait3A_330 = tpu.memref_slice %arg2[%add3A, %add3A_187, %dma_wait3A_327, %dma_wait3A_328, %dma_wait3A_329] : memref<32x55x2x2x128xi32, #tpu.memory_space<hbm>> -> memref<1x1x2x2x128xi32, #tpu.memory_space<hbm>>
      %dma_wait3A_331 = tpu.memref_squeeze %dma_wait3A_330 : memref<1x1x2x2x128xi32, #tpu.memory_space<hbm>> -> memref<2x2x128xi32, #tpu.memory_space<hbm>>
      %dma_wait3A_332 = arith.constant 0 : i32
      %dma_wait3A_333 = arith.constant 0 : i32
      %dma_wait3A_334 = arith.constant 0 : i32
      %dma_wait3A_335 = tpu.memref_slice %arg6[%dma_wait3A_321, %dma_wait3A_332, %dma_wait3A_333, %dma_wait3A_334] : memref<2x2x2x128xi32, #tpu.memory_space<vmem>> -> memref<1x2x2x128xi32, #tpu.memory_space<vmem>>
      %dma_wait3A_336 = tpu.memref_squeeze %dma_wait3A_335 : memref<1x2x2x128xi32, #tpu.memory_space<vmem>> -> memref<2x2x128xi32, #tpu.memory_space<vmem>>
      %dma_wait3A_337 = arith.constant 0 : i32
      %dma_wait3A_338 = arith.constant 0 : i32
      %dma_wait3A_339 = arith.constant 0 : i32
      %dma_wait3A_340 = tpu.memref_slice %arg2[%add3A, %add3A_187, %dma_wait3A_337, %dma_wait3A_338, %dma_wait3A_339] : memref<32x55x2x2x128xi32, #tpu.memory_space<hbm>> -> memref<1x1x2x2x128xi32, #tpu.memory_space<hbm>>
      %dma_wait3A_341 = tpu.memref_squeeze %dma_wait3A_340 : memref<1x1x2x2x128xi32, #tpu.memory_space<hbm>> -> memref<2x2x128xi32, #tpu.memory_space<hbm>>
      tpu.wait_dma2 semaphore(%arg9 : memref<!tpu.dma_semaphore, #tpu.memory_space<semaphore_mem>>) src(%dma_wait3A_341 : memref<2x2x128xi32, #tpu.memory_space<hbm>>) dst(%dma_wait3A_336 : memref<2x2x128xi32, #tpu.memory_space<vmem>>)
    }
    %barrier3A_18 = arith.constant 0 : index
    tpu.barrier barrier_id(%barrier3A_18)
    %mul3A_19 = arith.constant 632 : i32
    %mul3A_20 = arith.muli %arg1, %mul3A_19 : i32
    %mul3A_21 = arith.constant 632 : i32
    %mul3A_22 = arith.muli %arg1, %mul3A_21 : i32
    "tpu.region"() ({
      %run_scoped3A_23 = tpu.sem_alloc : memref<!tpu.dma_semaphore, #tpu.memory_space<semaphore_mem>>
      %dma_start3A = arith.constant 0 : i32
      %dma_start3A_24 = tpu.memref_slice %arg5[%arg0, %mul3A_22, %dma_start3A] : memref<2x10112x128xf32, #tpu.memory_space<hbm>> -> memref<1x632x128xf32, #tpu.memory_space<hbm>>
      %dma_start3A_25 = tpu.memref_squeeze %dma_start3A_24 : memref<1x632x128xf32, #tpu.memory_space<hbm>> -> memref<632x128xf32, #tpu.memory_space<hbm>>
      %dma_start3A_26 = arith.constant 0 : i32
      %dma_start3A_27 = tpu.memref_slice %arg8[%mul3A_20, %dma_start3A_26] : memref<10112x128xf32, #tpu.memory_space<vmem_shared>> -> memref<632x128xf32, #tpu.memory_space<vmem_shared>>
      tpu.enqueue_dma source(%dma_start3A_27 : memref<632x128xf32, #tpu.memory_space<vmem_shared>>) target(%dma_start3A_25 : memref<632x128xf32, #tpu.memory_space<hbm>>) target_semaphore(%run_scoped3A_23 : memref<!tpu.dma_semaphore, #tpu.memory_space<semaphore_mem>>)
      %dma_wait3A = arith.constant 0 : i32
      %dma_wait3A_28 = tpu.memref_slice %arg5[%arg0, %mul3A_22, %dma_wait3A] : memref<2x10112x128xf32, #tpu.memory_space<hbm>> -> memref<1x632x128xf32, #tpu.memory_space<hbm>>
      %dma_wait3A_29 = tpu.memref_squeeze %dma_wait3A_28 : memref<1x632x128xf32, #tpu.memory_space<hbm>> -> memref<632x128xf32, #tpu.memory_space<hbm>>
      %dma_wait3A_30 = arith.constant 0 : i32
      %dma_wait3A_31 = tpu.memref_slice %arg8[%mul3A_20, %dma_wait3A_30] : memref<10112x128xf32, #tpu.memory_space<vmem_shared>> -> memref<632x128xf32, #tpu.memory_space<vmem_shared>>
      tpu.wait_dma2 semaphore(%run_scoped3A_23 : memref<!tpu.dma_semaphore, #tpu.memory_space<semaphore_mem>>) src(%dma_wait3A_31 : memref<632x128xf32, #tpu.memory_space<vmem_shared>>) dst(%dma_wait3A_29 : memref<632x128xf32, #tpu.memory_space<hbm>>)
      tpu.yield
    }) : () -> ()
    return
  }
}

</mosaic_0001>

<sc_bundles>
// kernel: _sc_gather_scatter.3.cloned.1.call-start
scs
__scs_entry_jumppad:
0x0: {  	(pc) =	sbr.rel $0x88, $3  }
0x1: {  	(tag) =	ssettag $0x0;
	lr =	simm.s32 $0x1  }
0x2: {  	[smem:$0x3F9E] =	sst lr;
	_ =	strace $0xD0000000  }
0x3: {  	_ = 	snop  }
0x4: {  	_ = 	snop  }
0x5: {  	_ = 	snop  }
0x6: {  	_ = 	snop  }
0x7: {  	_ = 	snop  }
__scs_overlays_trampoline_lowered:
0x8: {  	[smem:$0x3FAD] =	sst s0  }
0x9: {  	[smem:$0x3FAE] =	sst s1  }
0xa: {  	[smem:$0x3FAF] =	sst s2  }
0xb: {  	[smem:$0x3FB0] =	sst s3  }
0xc: {  	[smem:$0x3FB1] =	sst s4  }
0xd: {  	[smem:$0x3FB2] =	sst s5  }
0xe: {  	[smem:$0x3FB3] =	sst s6  }
0xf: {  	[smem:$0x3FB4] =	sst s7  }
0x10: {  	[smem:$0x3FB5] =	sst s8  }
0x11: {  	[smem:$0x3FB6] =	sst s9;
	s0 =	simm.s32 @!p0 $0x0  }
0x12: {  	s1 =	sld [smem:$0x3F9C];
	s0 =	simm.s32 @p0 $0x1  }
0x13: {  	[smem:$0x3FB7] =	sst s0;
	s0 =	simm.s32 @!p1 $0x0  }
0x14: {  	s2 =	sld [smem:$0x3F9B];
	s0 =	simm.s32 @p1 $0x1  }
0x15: {  	[smem:$0x3FB8] =	sst s0;
	s0 =	simm.s32 @!p2 $0x0  }
0x16: {  	s3 =	sld [smem:$0x3FDB];
	s0 =	simm.s32 @p2 $0x1  }
0x17: {  	s4 =	simm.s32 $0x1BF5;
	[smem:$0x3FBA] =	sst s0  }
0x18: {  	s0 =	sld [smem:$0x3F9D];
	_ =	swait.ge [sflag:s4], $0x0  }
0x19: {  	s7 =	sld [smem:$0x3F9E]  }
0x1a: {  	s8 =	sadd.s32 $0xFFFFE003, lr  }
0x1b: {  	s9 =	sadd.s32 $0xFFFFFEF7, lr;
	s5 =	simm.s32 $0xFFFFFFFF;
	p2 =	slt.u32 s8, $0xFFFFF086  }
0x1c: {  	p1 =	slt.u32 s9, $0xF7A;
	s5 =	simm.s32 @!p2 $0x0  }
0x1d: {  	s5 =	simm.s32 @p1 $0x1;
	p0 =	seq.s32 s7, s2  }
0x1e: {  	s7 =	smul.u32 @!p0 $0xF7A, s2;
	p2 =	seq.s32 @!p0 s5, $0x0  }
0x1f: {  	s9 =	smul.u32 $0xF7A, s1;
	s8 =	simm.s32 @!p0 $0x1BF5;
	p2 =	por !p2, p0  }
0x20: {  	[sflag:s8] =	ssyncset.s32 @!p0 $0xFFFFF086;
	s6 =	sadd.s32 @!p0 s3, s7;
	s7 =	simm.s32 @!p0 $0x108  }
0x21: {  	s3 =	sadd.s32 s3, s9;
	s6 =	sadd.s32 @!p0 $0x88, s6;
	s7 =	simm.s32 @p2 $0x1082  }
0x22: {  	[simem:s7], [sflag:s8] =	dma.local @!p0 [hbm:s6], $0xF7A  }
0x23: {  	s9 =	sor.u32 $0xD0000000, s2;
	s6 =	simm.s32 $0x108;
	_ =	swait.ge @!p0 [sflag:s8], $0x0  }
0x24: {  	s3 =	sadd.s32 $0x88, s3;
	s6 =	simm.s32 @!p1 $0x1082;
	[sflag:s4] =	ssyncset.s32 $0xFFFFF086  }
0x25: {  	[simem:s6], [sflag:s4] =	dma.local [hbm:s3], $0xF7A  }
0x26: {  	[smem:$0x3F9E] =	sst s1;
	(tag) =	ssettag s2;
	_ =	strace s9  }
0x27: {  	s1 =	sld [smem:$0x3FAE]  }
0x28: {  	s2 =	sld [smem:$0x3FAF]  }
0x29: {  	s4 =	sld [smem:$0x3FB1]  }
0x2a: {  	p0 =	seq.s32 s5, $0x0;
	s5 =	sld [smem:$0x3FB2]  }
0x2b: {  	s6 =	sld [smem:$0x3FB3]  }
0x2c: {  	s7 =	sld [smem:$0x3FB4]  }
0x2d: {  	s3 =	simm.s32 $0x108;
	s8 =	sld [smem:$0x3FB5]  }
0x2e: {  	s3 =	simm.s32 @!p0 $0x1082;
	s9 =	sld [smem:$0x3FB6]  }
0x2f: {  	lr =	sadd.s32 s0, s3;
	s0 =	sld [smem:$0x3FAD]  }
0x30: {  	s3 =	sld [smem:$0x3FB0]  }
0x31: {  	[smem:$0x3FB9] =	sst s10  }
0x32: {  	s10 =	sld [smem:$0x3FB7];
	_ =	sdelay $0x3  }
0x33: {  	p0 =	seq.s32 s10, $0x1;
	s10 =	sld [smem:$0x3FB9];
	_ =	sdelay $0x3  }
0x34: {  	[smem:$0x3FB9] =	sst s10  }
0x35: {  	s10 =	sld [smem:$0x3FB8];
	_ =	sdelay $0x3  }
0x36: {  	p1 =	seq.s32 s10, $0x1;
	s10 =	sld [smem:$0x3FB9];
	_ =	sdelay $0x3  }
0x37: {  	[smem:$0x3FB9] =	sst s10  }
0x38: {  	s10 =	sld [smem:$0x3FBA]  }
0x39: {  	_ = 	snop;
	(pc) =	sbr.ind lr, $3  }
0x3a: {  	_ = 	snop  }
0x3b: {  	_ = 	snop  }
0x3c: {  	p2 =	seq.s32 s10, $0x1;
	s10 =	sld [smem:$0x3FB9]  }
0x3d: {  	_ =	shalt  }
0x3e: {  	_ =	shalt  }
0x3f: {  	_ =	shalt  }
0x40: {  	_ =	shalt  }
0x41: {  	_ =	shalt  }
0x42: {  	_ =	shalt  }
0x43: {  	_ =	shalt  }
0x44: {  	_ =	shalt  }
0x45: {  	_ =	shalt  }
0x46: {  	_ =	shalt  }
0x47: {  	_ =	shalt  }
0x48: {  	_ =	shalt  }
0x49: {  	_ =	shalt  }
0x4a: {  	_ =	shalt  }
0x4b: {  	_ =	shalt  }
0x4c: {  	_ =	shalt  }
0x4d: {  	_ =	shalt  }
0x4e: {  	_ =	shalt  }
0x4f: {  	_ =	shalt  }
0x50: {  	_ =	shalt  }
0x51: {  	_ =	shalt  }
0x52: {  	_ =	shalt  }
0x53: {  	_ =	shalt  }
0x54: {  	_ =	shalt  }
0x55: {  	_ =	shalt  }
0x56: {  	_ =	shalt  }
0x57: {  	_ =	shalt  }
0x58: {  	_ =	shalt  }
0x59: {  	_ =	shalt  }
0x5a: {  	_ =	shalt  }
0x5b: {  	_ =	shalt  }
0x5c: {  	_ =	shalt  }
0x5d: {  	_ =	shalt  }
0x5e: {  	_ =	shalt  }
0x5f: {  	_ =	shalt  }
0x60: {  	_ =	shalt  }
0x61: {  	_ =	shalt  }
0x62: {  	_ =	shalt  }
0x63: {  	_ =	shalt  }
0x64: {  	_ =	shalt  }
0x65: {  	_ =	shalt  }
0x66: {  	_ =	shalt  }
0x67: {  	_ =	shalt  }
0x68: {  	_ =	shalt  }
0x69: {  	_ =	shalt  }
0x6a: {  	_ =	shalt  }
0x6b: {  	_ =	shalt  }
0x6c: {  	_ =	shalt  }
0x6d: {  	_ =	shalt  }
0x6e: {  	_ =	shalt  }
0x6f: {  	_ =	shalt  }
0x70: {  	_ =	shalt  }
0x71: {  	_ =	shalt  }
0x72: {  	_ =	shalt  }
0x73: {  	_ =	shalt  }
0x74: {  	_ =	shalt  }
0x75: {  	_ =	shalt  }
0x76: {  	_ =	shalt  }
0x77: {  	_ =	shalt  }
0x78: {  	_ =	shalt  }
0x79: {  	_ =	shalt  }
0x7a: {  	_ =	shalt  }
0x7b: {  	_ =	shalt  }
0x7c: {  	_ =	shalt  }
0x7d: {  	_ =	shalt  }
0x7e: {  	_ =	shalt  }
0x7f: {  	_ =	shalt  }
0x80: {  	_ =	shalt  }
0x81: {  	_ =	shalt  }
0x82: {  	_ =	shalt  }
0x83: {  	_ =	shalt  }
0x84: {  	_ =	shalt  }
0x85: {  	_ =	shalt  }
0x86: {  	_ =	shalt  }
0x87: {  	_ =	shalt  }
.Lfunc_end0:
.L_simem_size_0:
called_computation_lowered:
.L_overlay_start_0:
0x88: {  	s2 =	sld [smem:$0x3FD9]  }
0x89: {  	s3 =	sld [smem:$0x3FFE];
	_ =	sdelay $0x1  }
0x8a: {  	s1 =	srdreg.scid  }
0x8b: {  	s0 =	sand.u32 $0x1, s1  }
0x8c: {  	s18 =	sshll.u32 s0, $0xA;
	s2 =	sadd.s32 s3, s2  }
0x8d: {  	s2 =	sadd.s32 s2, s18  }
0x8e: {  	[smem:$0x3FC5] =	sst s2  }
0x8f: {  	_ = 	snop  }
0x90: {  	s2 =	sld [smem:$0x3FC9]  }
0x91: {  	s19 =	sld [smem:$0x3FC8]  }
0x92: {  	s4 =	sld [smem:$0x3FC7]  }
0x93: {  	s5 =	sld [smem:$0x3FD0];
	(tm) =	ssettm $0x1  }
0x94: {  	s6 =	sld [smem:$0x3FFB];
	_ =	sdelay $0x3  }
0x95: {  	_ =	strace s6  }
0x96: {  	s6 =	sld [smem:$0x3FFC];
	_ =	sdelay $0x3  }
0x97: {  	_ =	strace s6  }
0x98: {  	s6 =	sld [smem:$0x3FFD];
	_ =	sdelay $0x3  }
0x99: {  	_ =	strace s6  }
0x9a: {  	_ =	strace $0x8FFFFFFF  }
0x9b: {  	s20 =	sld [smem:$0x3FDB];
	_ =	sdelay $0x1  }
0x9c: {  	s7 =	simm.s32 $_scs_section_size  }
0x9d: {  	s8 =	simm.s32 $_size__tile_overlayer_lowered;
	s9 =	simm.s32 $_tile_overlayer_lowered  }
0x9e: {  	s23 =	simm.s32 $0x1BFF;
	s22 =	sshll.u32 s9, $0x1;
	s6 =	sadd.s32 s7, s20  }
0x9f: {  	s10 =	simm.s32 $0x0;
	s21 =	sshll.u32 s8, $0x1;
	s8 =	sadd.s32 s22, s6  }
0xa0: {  	[timem:s10], [sflag:s23] =	dma.local [hbm:s8], s21  }
0xa1: {  	_ =	swait.ge [sflag:s23], s21  }
0xa2: {  	s7 =	ssub.s32 $0x0, s21;
	[sflag:s23] =	ssyncset.done $0x0  }
0xa3: {  	[sflag:s23] =	ssyncadd.s32 s7;
	_ =	sdelay $0x1  }
0xa4: {  	s24 =	simm.s32 $0x1B8B  }
0xa5: {  	_ =	swait.ge [sflag:s24], $0x1  }
0xa6: {  	[sflag:s24] =	ssyncset.done $0x0  }
0xa7: {  	s25 =	simm.s32 $0x1B8E;
	[sflag:s24] =	ssyncadd.s32 $0xFFFFFFFF  }
0xa8: {  	s26 =	simm.s32 $execute0_lowered;
	[smem:$0x3FD2] =	sst s25  }
0xa9: {  	s7 =	sshll.u32 s26, $0x1;
	_ =	strace $0x80000046;
	[dreg:$0x1] =	wrdreg $0xFFFFFFFF  }
0xaa: {  	s28 =	simm.s32 $_size_execute0_lowered;
	s6 =	sadd.s32 s6, s7;
	[dreg:$0x0] =	wrdreg $0x0  }
0xab: {  	s7 =	sshll.u32 s28, $0x1;
	[dreg:$0x2] =	wrdreg s6  }
0xac: {  	[dreg:$0x3] =	wrdreg s7  }
0xad: {  	[dreg:$0x4] =	wrdreg $0xC0  }
0xae: {  	_ =	task [dreg:s10], $0x5FFFF  }
0xaf: {  	[dreg:$0x1] =	wrdreg $0xFFFFFFFF  }
0xb0: {  	[dreg:$0x0] =	wrdreg $0x60  }
0xb1: {  	[dreg:$0x2] =	wrdreg s2  }
0xb2: {  	[dreg:$0x3] =	wrdreg s19  }
0xb3: {  	[dreg:$0x4] =	wrdreg s4  }
0xb4: {  	[dreg:$0x5] =	wrdreg s5  }
0xb5: {  	[dreg:$0x6] =	wrdreg $0x84000  }
0xb6: {  	[dreg:$0x7] =	wrdreg $0x9  }
0xb7: {  	_ =	task.clear_ibuf [dreg:s10], $0x8FFFF;
	_ =	strace $0x90000046  }
0xb8: {  	s29 =	simm.s32 $0x9;
	_ =	strace $0x80000048  }
0xb9: {  	_ =	swait.ge [sflag:s29], $0x1  }
0xba: {  	[sflag:s29] =	ssyncadd.s32 $0xFFFFFFFF  }
0xbb: {  	_ =	strace $0x90000048  }
0xbc: {  	_ =	sfence  }
0xbd: {  	s30 =	sld [smem:$0x0];
	_ =	sdelay $0x2  }
0xbe: {  	s31 =	sshll.u32 s1, $0xD;
	s1 =	sshrl.u32 s1, $0x2  }
0xbf: {  	s3 =	sand.u32 $0x4000, s31;
	s1 =	sadd.s32 s1, s30  }
0xc0: {  	s0 =	sor.u32 s3, s0;
	s1 =	sshll.u32 s1, $0x11  }
0xc1: {  	s0 =	sor.u32 s1, s0  }
0xc2: {  	s0 =	sadd.s32 $0x8F2B, s0  }
0xc3: {  	[sflag:s0] =	ssyncadd.remote.s32 $0x1  }
0xc4: {  	_ =	sfence.sel $0xFFFF  }
0xc5: {  	[dreg:$0x0] =	wrdreg $0xFFFFFFFF;
	(pc) =	sbr.abs _section_cstart, $3  }
0xc6: {  	[dreg:$0x1] =	wrdreg $0xFFFFFFFF  }
0xc7: {  	_ =	task.clear_ibuf [dreg:s10], $0x2FFFF;
	_ =	strace $0x9FFFFFFF  }
0xc8: {  	(tm) =	ssettm $0x7FFFFFFF  }
0xc9: {  	_ =	shalt  }
tec
execute0_lowered:
.L_overlay_start_1:
0x0: {  	(tag) =	ssettag $0x1  }
0x1: {  	s0 =	rddreg [dreg:$0x0]  }
0x2: {  	s1 =	rddreg [dreg:$0x1]  }
0x3: {  	s2 =	srdreg.scid;
	s3 =	rddreg [dreg:$0x2]  }
0x4: {  	s9 =	rddreg [dreg:$0x3];
	s21 =	stileid.u32  }
0x5: {  	s4 =	rddreg [dreg:$0x4];
	s16 =	simm.s32 $0x200;
	s17 =	simm.s32 $0x80  }
0x6: {  	s18 =	simm.s32 $0x400;
	s19 =	simm.s32 $0x4400;
	s10 =	smul.u32 $0x4F000, s21  }
0x7: {  	s20 =	simm.s32 $0x2;
	s28 =	simm.s32 $0x380;
	s12 =	smul.u32 $0x13C00, s21  }
0x8: {  	s29 =	simm.s32 $0x0;
	s8 =	sand.u32 $0x1, s2;
	s14 =	smul.u32 $0x6E00, s21  }
0x9: {  	s31 =	sshll.u32 s21, $0x6;
	s5 =	sshll.u32 s8, $0x4;
	s13 =	smul.u32 $0x13C000, s8  }
0xa: {  	s7 =	ssub.s32 $0x2, s8;
	s23 =	smul.u32 $0x6E000, s8;
	p0 =	seq.s32 s8, $0x0  }
0xb: {  	s8 =	simm.s32 $0x1B;
	s6 =	sor.u32 s21, s5;
	s5 =	simm.s32 $0x0  }
0xc: {  	s11 =	sshrl.u32 s7, $0x1;
	s22 =	sshrl.u32 s10, $0x2;
	s24 =	sshrl.u32 s12, $0x3  }
0xd: {  	s8 =	simm.s32 @!p0 $0xD;
	s21 =	simm.s32 $0x100;
	s6 =	smul.u32 $0x6E00, s6  }
0xe: {  	[smem:$0x7FF] =	sst s5;
	s11 =	ssub.s32 s7, s11;
	s15 =	sadd.s32 s22, s4  }
0xf: {  	s7 =	sadd.s32 s3, s24;
	s25 =	sadd.s32 s12, s13;
	s26 =	sadd.s32 s14, s23  }
0x10: {  	s13 =	simm.s32 $0x4;
	s14 =	sor.u32 $0x1C04, s31;
	s22 =	simm.s32 $0x180  }
0x11: {  	s23 =	simm.s32 $0x3;
	s24 =	simm.s32 $0x1;
	_ =	strace $0x80000047  }
0x12: {  	s3 =	sshrl.u32 s25, $0x3;
	s30 =	sadd.s32 $0x200, s26;
	s10 =	smax.u32 s11, $0x1  }
0x13: {  	s11 =	sadd.s32 $0x400, s26;
	s15 =	sshrl.u32 s15, $0x3;
	s25 =	simm.s32 $0x280  }
0x14: {  	s6 =	sshrl.u32 s6, $0x3;
	s9 =	sadd.s32 s9, s3;
	s3 =	sshrl.u32 s30, $0x3  }
0x15: {  	s26 =	simm.s32 $0x300;
	s6 =	sadd.s32 s0, s6;
	s3 =	sadd.s32 s3, s0  }
.LBB2_1:
0x16: {  	[tilespmem:s5], [sflag:$0x4] =	stream.linear.gather [hbm4b:s6+s5], $0x200, $0x38;
	[tilespmem:$0x1C000] =	vst v63  }
0x17: {  	_ =	swait.ge [sflag:s13], $0x200  }
0x18: {  	[sflag:s13] =	ssyncset.done $0x0  }
0x19: {  	[sflag:s13] =	ssyncadd.s32 $0xFFFFFE00  }
0x1a: {  	[spmem:s15], [sflag:s14] =	dma.local [hbm:s7], $0x2780  }
0x1b: {  	_ =	swait.ge [sflag:s13], $0x2780  }
0x1c: {  	[sflag:s13] =	ssyncset.done $0x0  }
0x1d: {  	[sflag:s13] =	ssyncadd.s32 $0xFFFFD880  }
0x1e: {  	[bflag:$0x0] =	sbarrier.arrive $0xFFFF  }
0x1f: {  	[tilespmem:s16], [sflag:$0x1] =	stream.linear.gather [hbm4b:s3+s5], $0x200, $0x38;
	[tilespmem:$0x1C000] =	vst v63  }
0x20: {  	_ = 	snop  }
0x21: {  	[tilespmem:s18], [sflag:$0x2] =	stream.indirect.gather [hbm4b:s1+s17], $0x80, s5, s17, $0xb8;
	[tilespmem:$0x1C000] =	vst v63  }
0x22: {  	_ = 	snop  }
0x23: {  	[tilespmem:s19], [sflag:$0x2] =	stream.indirect.gather [hbm4b:s1+s17], $0x80, s17, s17, $0xb8;
	[tilespmem:$0x1C000] =	vst v63  }
0x24: {  	_ =	swait.ge [sflag:s20], $0x4000  }
0x25: {  	[sflag:s20] =	ssyncset.done $0x0  }
0x26: {  	[sflag:s20] =	ssyncadd.s32 $0xFFFFC000  }
0x27: {  	[spmem:s4] =	stream.indirect.scatter.add.f32 [tilespmem:s18], [sflag:$0x3], $0x80, s21, s17, $0xb8;
	[tilespmem:$0x1C000] =	vst v63  }
0x28: {  	_ =	swait.ge [sflag:s20], $0x4000  }
0x29: {  	[sflag:s20] =	ssyncset.done $0x0  }
0x2a: {  	[sflag:s20] =	ssyncadd.s32 $0xFFFFC000  }
0x2b: {  	[spmem:s4] =	stream.indirect.scatter.add.f32 [tilespmem:s19], [sflag:$0x3], $0x80, s22, s17, $0xb8;
	[tilespmem:$0x1C000] =	vst v63  }
0x2c: {  	_ =	swait.ge [sflag:s23], $0x4000  }
0x2d: {  	[sflag:s23] =	ssyncset.done $0x0  }
0x2e: {  	[sflag:s23] =	ssyncadd.s32 $0xFFFFC000  }
0x2f: {  	_ =	swait.ge [sflag:s23], $0x4000  }
0x30: {  	[sflag:s23] =	ssyncset.done $0x0  }
0x31: {  	[sflag:s23] =	ssyncadd.s32 $0xFFFFC000  }
0x32: {  	_ =	swait.ge [sflag:s24], $0x200  }
0x33: {  	s12 =	sshrl.u32 s11, $0x3;
	[sflag:s24] =	ssyncset.done $0x0  }
0x34: {  	s12 =	sadd.s32 s0, s12;
	[sflag:s24] =	ssyncadd.s32 $0xFFFFFE00  }
0x35: {  	[tilespmem:s5], [sflag:$0x1] =	stream.linear.gather [hbm4b:s12+s5], $0x200, $0x38;
	[tilespmem:$0x1C000] =	vst v63  }
0x36: {  	_ = 	snop  }
0x37: {  	[tilespmem:s18], [sflag:$0x2] =	stream.indirect.gather [hbm4b:s1+s17], $0x80, s16, s17, $0xb8;
	[tilespmem:$0x1C000] =	vst v63  }
0x38: {  	_ = 	snop  }
0x39: {  	[tilespmem:s19], [sflag:$0x2] =	stream.indirect.gather [hbm4b:s1+s17], $0x80, s25, s17, $0xb8;
	[tilespmem:$0x1C000] =	vst v63  }
0x3a: {  	_ =	swait.ge [sflag:s20], $0x4000  }
0x3b: {  	[sflag:s20] =	ssyncset.done $0x0  }
0x3c: {  	[sflag:s20] =	ssyncadd.s32 $0xFFFFC000  }
0x3d: {  	[spmem:s4] =	stream.indirect.scatter.add.f32 [tilespmem:s18], [sflag:$0x3], $0x80, s26, s17, $0xb8;
	[tilespmem:$0x1C000] =	vst v63  }
0x3e: {  	_ =	swait.ge [sflag:s20], $0x4000  }
0x3f: {  	[sflag:s20] =	ssyncset.done $0x0  }
0x40: {  	[sflag:s20] =	ssyncadd.s32 $0xFFFFC000  }
0x41: {  	[spmem:s4] =	stream.indirect.scatter.add.f32 [tilespmem:s19], [sflag:$0x3], $0x80, s28, s17, $0xb8;
	[tilespmem:$0x1C000] =	vst v63  }
0x42: {  	_ =	swait.ge [sflag:s23], $0x4000  }
0x43: {  	[sflag:s23] =	ssyncset.done $0x0  }
0x44: {  	p0 =	sne.s32 s8, $0x1;
	[sflag:s23] =	ssyncadd.s32 $0xFFFFC000  }
.Ltmp0:
0x45: {  	_ =	swait.ge [sflag:s23], $0x4000;
	(pc) =	sbr.rel @!p0 .LBB2_3-.Ltmp0, $4  }
0x46: {  	[sflag:s23] =	ssyncset.done $0x0  }
0x47: {  	[sflag:s23] =	ssyncadd.s32 $0xFFFFC000  }
0x48: {  	s30 =	sadd.s32 $0xFFFFFFFF, s8;
	_ =	swait.ge [sflag:s24], $0x200  }
0x49: {  	s31 =	smov.u32 s11;
	s12 =	smov.u32 s3;
	[sflag:s24] =	ssyncset.done $0x0  }
.LBB2_2:
0x4a: {  	[sflag:s24] =	ssyncadd.s32 $0xFFFFFE00;
	s31 =	sadd.s32 $0x400, s31;
	s12 =	sadd.s32 $0x80, s12  }
0x4b: {  	[tilespmem:s16], [sflag:$0x1] =	stream.linear.gather [hbm4b:s12+s5], $0x200, $0x38;
	[tilespmem:$0x1C000] =	vst v63  }
0x4c: {  	p0 =	sne.s32 s30, $0x1;
	s30 =	sadd.s32 $0xFFFFFFFF, s30  }
0x4d: {  	[tilespmem:s18], [sflag:$0x2] =	stream.indirect.gather [hbm4b:s1+s17], $0x80, s5, s17, $0xb8;
	[tilespmem:$0x1C000] =	vst v63  }
0x4e: {  	_ = 	snop  }
0x4f: {  	[tilespmem:s19], [sflag:$0x2] =	stream.indirect.gather [hbm4b:s1+s17], $0x80, s17, s17, $0xb8;
	[tilespmem:$0x1C000] =	vst v63  }
0x50: {  	_ =	swait.ge [sflag:s20], $0x4000  }
0x51: {  	[sflag:s20] =	ssyncset.done $0x0  }
0x52: {  	[sflag:s20] =	ssyncadd.s32 $0xFFFFC000  }
0x53: {  	[spmem:s4] =	stream.indirect.scatter.add.f32 [tilespmem:s18], [sflag:$0x3], $0x80, s21, s17, $0xb8;
	[tilespmem:$0x1C000] =	vst v63  }
0x54: {  	_ =	swait.ge [sflag:s20], $0x4000  }
0x55: {  	[sflag:s20] =	ssyncset.done $0x0  }
0x56: {  	[sflag:s20] =	ssyncadd.s32 $0xFFFFC000  }
0x57: {  	[spmem:s4] =	stream.indirect.scatter.add.f32 [tilespmem:s19], [sflag:$0x3], $0x80, s22, s17, $0xb8;
	[tilespmem:$0x1C000] =	vst v63  }
0x58: {  	_ =	swait.ge [sflag:s23], $0x4000  }
0x59: {  	[sflag:s23] =	ssyncset.done $0x0  }
0x5a: {  	[sflag:s23] =	ssyncadd.s32 $0xFFFFC000  }
0x5b: {  	_ =	swait.ge [sflag:s23], $0x4000  }
0x5c: {  	[sflag:s23] =	ssyncset.done $0x0  }
0x5d: {  	[sflag:s23] =	ssyncadd.s32 $0xFFFFC000  }
0x5e: {  	_ =	swait.ge [sflag:s24], $0x200  }
0x5f: {  	s2 =	sshrl.u32 s31, $0x3;
	[sflag:s24] =	ssyncset.done $0x0  }
0x60: {  	s2 =	sadd.s32 s0, s2;
	[sflag:s24] =	ssyncadd.s32 $0xFFFFFE00  }
0x61: {  	[tilespmem:s5], [sflag:$0x1] =	stream.linear.gather [hbm4b:s2+s5], $0x200, $0x38;
	[tilespmem:$0x1C000] =	vst v63  }
0x62: {  	_ = 	snop  }
0x63: {  	[tilespmem:s18], [sflag:$0x2] =	stream.indirect.gather [hbm4b:s1+s17], $0x80, s16, s17, $0xb8;
	[tilespmem:$0x1C000] =	vst v63  }
0x64: {  	_ = 	snop  }
0x65: {  	[tilespmem:s19], [sflag:$0x2] =	stream.indirect.gather [hbm4b:s1+s17], $0x80, s25, s17, $0xb8;
	[tilespmem:$0x1C000] =	vst v63  }
0x66: {  	_ =	swait.ge [sflag:s20], $0x4000  }
0x67: {  	[sflag:s20] =	ssyncset.done $0x0  }
0x68: {  	[sflag:s20] =	ssyncadd.s32 $0xFFFFC000  }
0x69: {  	[spmem:s4] =	stream.indirect.scatter.add.f32 [tilespmem:s18], [sflag:$0x3], $0x80, s26, s17, $0xb8;
	[tilespmem:$0x1C000] =	vst v63  }
0x6a: {  	_ =	swait.ge [sflag:s20], $0x4000  }
0x6b: {  	[sflag:s20] =	ssyncset.done $0x0  }
0x6c: {  	[sflag:s20] =	ssyncadd.s32 $0xFFFFC000  }
0x6d: {  	[spmem:s4] =	stream.indirect.scatter.add.f32 [tilespmem:s19], [sflag:$0x3], $0x80, s28, s17, $0xb8;
	[tilespmem:$0x1C000] =	vst v63  }
0x6e: {  	_ =	swait.ge [sflag:s23], $0x4000  }
0x6f: {  	[sflag:s23] =	ssyncset.done $0x0  }
0x70: {  	[sflag:s23] =	ssyncadd.s32 $0xFFFFC000  }
.Ltmp1:
0x71: {  	_ =	swait.ge [sflag:s23], $0x4000;
	(pc) =	sbr.rel @p0 .LBB2_2-.Ltmp1, $4  }
0x72: {  	[sflag:s23] =	ssyncset.done $0x0  }
0x73: {  	[sflag:s23] =	ssyncadd.s32 $0xFFFFC000  }
0x74: {  	_ =	swait.ge [sflag:s24], $0x200  }
0x75: {  	[sflag:s24] =	ssyncset.done $0x0  }
.LBB2_3:
0x76: {  	s29 =	sadd.s32 $0x1, s29  }
0x77: {  	[sflag:s24] =	ssyncadd.s32 $0xFFFFFE00;
	p0 =	sne.s32 s29, s10  }
.Ltmp2:
0x78: {  	[bflag:$0x0] =	sbarrier.arrive $0xFFFF;
	(pc) =	sbr.rel @p0 .LBB2_1-.Ltmp2, $4  }
0x79: {  	[hbm:s9], [sflag:s14] =	dma.local [spmem:s15], $0x2780  }
0x7a: {  	_ =	swait.ge [sflag:s13], $0x2780  }
0x7b: {  	[sflag:s13] =	ssyncset.done $0x0  }
0x7c: {  	[sflag:s13] =	ssyncadd.s32 $0xFFFFD880  }
0x7d: {  	_ =	sfence.sel $0x180000  }
0x7e: {  	[bflag:$0x0] =	sbarrier.arrive $0xFFFF  }
0x7f: {  	_ =	strace $0x90000047  }
0x80: {  	s0 =	stileid.u32;
	[bflag:$0x2] =	sbarrier.arrive $0xFFFF  }
0x81: {  	p0 =	sne.s32 s0, $0x0;
	s0 =	rddreg [dreg:$0x5]  }
0x82: {  	s0 =	sadd.s32 @!p0 $0x100000, s0  }
0x83: {  	[sflag:s0] =	ssyncadd.tile.s32 @!p0 $0x1;
	_ =	shalt  }
.Lfunc_end2:
_tile_overlayer_lowered:
.L_overlay_start_2:
0x84: {  	(tag) =	ssettag $0x2  }
0x85: {  	s0 =	rddreg [dreg:$0x0];
	s2 =	stileid.u32  }
0x86: {  	s1 =	rddreg [dreg:$0x1];
	p0 =	sne.s32 s2, $0x0  }
0x87: {  	s3 =	rddreg [dreg:$0x2];
	[bflag:$0x3] =	sbarrier.arrive $0xFFFF;
	s2 =	simm.s32 @!p0 $0x1C04  }
0x88: {  	[timem:s3], [sflag:s2] =	dma.local @!p0 [hbm:s0], s1  }
0x89: {  	s0 =	simm.s32 @!p0 $0x4  }
0x8a: {  	_ =	swait.ge @!p0 [sflag:s0], s1  }
0x8b: {  	s1 =	ssub.s32 @!p0 $0x0, s1;
	[sflag:s0] =	ssyncset.done @!p0 $0x0  }
0x8c: {  	[sflag:s0] =	ssyncadd.s32 @!p0 s1  }
0x8d: {  	[bflag:$0x3] =	sbarrier.arrive $0xFFFF  }
0x8e: {  	_ =	shalt  }

</sc_bundles>
